<compile_context>
chip_gen: v7x
topology: tpu7x:2x2x1
jax: 0.10.2.dev20260603
libtpu: 0.0.44.dev20260713+nightly
codegen_flags: <defaults>
</compile_context>

<pallas_src>
import functools

import jax
import jax.numpy as jnp
from jax import lax
from jax.experimental import pallas as pl
from jax.experimental.pallas import tpu as pltpu
from jax.experimental.pallas import tpu_sc as plsc

_D = 128
_B = 16384
_NC = 2
_NS = 16
_NW = _NC * _NS
_BPW = _B // _NW
_C = 128
_NCHUNK = _BPW // _C
_L = 16


def _sqrt16(x):
    i = lax.bitcast_convert_type(x, jnp.int32)
    y = lax.bitcast_convert_type(0x5F3759DF - (i >> 1), jnp.float32)
    for _ in range(3):
        y = y * (1.5 - 0.5 * x * y * y)
    return x * y


def _tec_body(ent, rel, heads, rels, tails, out,
              idx_h, idx_r, idx_t, bh, br, bt, out_v, sems):
    wid = lax.axis_index("s") * _NC + lax.axis_index("c")
    base = wid * _BPW

    cph = pltpu.async_copy(heads.at[pl.ds(base, _BPW)], idx_h, sems.at[0])
    cpr = pltpu.async_copy(rels.at[pl.ds(base, _BPW)], idx_r, sems.at[1])
    cpt = pltpu.async_copy(tails.at[pl.ds(base, _BPW)], idx_t, sems.at[0])
    cph.wait()
    cpr.wait()
    cpt.wait()

    def fire(c, slot):
        off = c * _C
        pltpu.async_copy(ent.at[idx_h.at[pl.ds(off, _C)]], bh.at[slot],
                         sems.at[slot])
        pltpu.async_copy(rel.at[idx_r.at[pl.ds(off, _C)]], br.at[slot],
                         sems.at[slot])
        pltpu.async_copy(ent.at[idx_t.at[pl.ds(off, _C)]], bt.at[slot],
                         sems.at[slot])

    def drain(c, slot):
        off = c * _C
        pltpu.make_async_copy(ent.at[idx_h.at[pl.ds(off, _C)]], bh.at[slot],
                              sems.at[slot]).wait()
        pltpu.make_async_copy(rel.at[idx_r.at[pl.ds(off, _C)]], br.at[slot],
                              sems.at[slot]).wait()
        pltpu.make_async_copy(ent.at[idx_t.at[pl.ds(off, _C)]], bt.at[slot],
                              sems.at[slot]).wait()

    lane = lax.iota(jnp.int32, _L)
    fire(0, 0)

    def chunk_body(c, carry):
        slot = lax.rem(c, 2)
        drain(c, slot)

        @pl.when(c + 1 < _NCHUNK)
        def _():
            fire(c + 1, 1 - slot)

        def group_body(g, carry2):
            def row_ins(ii, vec):
                i = g * _L + ii
                acc = jnp.zeros((_L,), jnp.float32)
                for j in range(_D // _L):
                    sl = pl.ds(j * _L, _L)
                    s = (bh[slot, i, sl] + br[slot, i, sl]) \
                        - bt[slot, i, sl]
                    acc = acc + s * s
                for sh in (8, 4, 2, 1):
                    acc = acc + acc.at[lane ^ sh].get(
                        mode="promise_in_bounds")
                return jnp.where(lane == ii, acc, vec)

            vec = lax.fori_loop(0, _L, row_ins,
                                jnp.zeros((_L,), jnp.float32), unroll=1)
            out_v[pl.ds(c * _C + g * _L, _L)] = _sqrt16(vec)
            return carry2

        lax.fori_loop(0, _C // _L, group_body, 0)
        pltpu.async_copy(out_v.at[pl.ds(c * _C, _C)],
                         out.at[pl.ds(base + c * _C, _C)], sems.at[2])
        return carry

    lax.fori_loop(0, _NCHUNK, chunk_body, 0)

    for c in range(_NCHUNK):
        pltpu.make_async_copy(out_v.at[pl.ds(c * _C, _C)],
                              out.at[pl.ds(base + c * _C, _C)],
                              sems.at[2]).wait()


_kg_call = functools.partial(
    pl.kernel,
    mesh=plsc.VectorSubcoreMesh(core_axis_name="c", subcore_axis_name="s"),
    out_type=jax.ShapeDtypeStruct((_B,), jnp.float32),
    scratch_types=[
        pltpu.VMEM((_BPW,), jnp.int32),
        pltpu.VMEM((_BPW,), jnp.int32),
        pltpu.VMEM((_BPW,), jnp.int32),
        pltpu.VMEM((2, _C, _D), jnp.float32),
        pltpu.VMEM((2, _C, _D), jnp.float32),
        pltpu.VMEM((2, _C, _D), jnp.float32),
        pltpu.VMEM((_BPW,), jnp.float32),
        pltpu.SemaphoreType.DMA((3,)),
    ],
)(_tec_body)


def kernel(entity_emb, relation_emb, heads, relations, tails):
    h = heads.astype(jnp.int32)
    r = relations.astype(jnp.int32)
    t = tails.astype(jnp.int32)
    return _kg_call(entity_emb, relation_emb, h, r, t)

# --- scband reference (transcript-rebuilt; emitter-appended) ---
"""Pipeline reference for scband-kgembedding-10033043603791 (READ-ONLY COPY).

The authoritative reference and input builder live on the scoring server;
editing this copy changes nothing except your own understanding.
"""

import jax, jax.numpy as jnp
import numpy as np

NUM_ENTITIES = 1000000
NUM_RELATIONS = 1000
EMBED_DIM = 128
BATCH = 16384

def _xavier_uniform(key, shape):
    fan_in, fan_out = shape[0], shape[1]
    limit = float(np.sqrt(6.0 / (fan_in + fan_out)))
    return jax.random.uniform(key, shape, dtype=jnp.float32, minval=-limit, maxval=limit)

def setup_inputs(seed: int = 0) -> dict:
    key = jax.random.key(seed)
    k1, k2, k3, k4, k5 = jax.random.split(key, 5)
    entity_emb = _xavier_uniform(k1, (NUM_ENTITIES, EMBED_DIM))
    # normalize_entities(): row-wise L2 normalization applied at init
    norms = jnp.clip(jnp.linalg.norm(entity_emb, axis=1, keepdims=True), 1e-12, None)
    entity_emb = entity_emb / norms
    relation_emb = _xavier_uniform(k2, (NUM_RELATIONS, EMBED_DIM))
    heads = jax.random.randint(k3, (BATCH,), 0, NUM_ENTITIES, dtype=jnp.int32).astype(jnp.int64)
    relations = jax.random.randint(k4, (BATCH,), 0, NUM_RELATIONS, dtype=jnp.int32).astype(jnp.int64)
    tails = jax.random.randint(k5, (BATCH,), 0, NUM_ENTITIES, dtype=jnp.int32).astype(jnp.int64)
    return {"entity_emb": entity_emb, "relation_emb": relation_emb,
            "heads": heads, "relations": relations, "tails": tails}

def reference(entity_emb, relation_emb, heads, relations, tails):
    head_embeds = jnp.take(entity_emb, heads, axis=0)
    relation_embeds = jnp.take(relation_emb, relations, axis=0)
    tail_embeds = jnp.take(entity_emb, tails, axis=0)
    scores = head_embeds + relation_embeds - tail_embeds
    distances = jnp.linalg.norm(scores, ord=2, axis=1)
    return distances

if __name__ == "__main__":
    import jax
    _d = setup_inputs()
    print(jax.jit(kernel)(*tuple(_d.values())))

</pallas_src>

<mosaic_0001>
#map = affine_map<(d0, d1) -> (0, 0)>
#map1 = affine_map<(d0, d1) -> (0)>
module attributes {stable_mosaic.version = 14 : i64} {
  func.func @_tec_body(%arg0: i32, %arg1: i32, %arg2: memref<1000000x128xf32, #tpu.memory_space<hbm>>, %arg3: memref<1000x128xf32, #tpu.memory_space<hbm>>, %arg4: memref<16384xi32, #tpu.memory_space<hbm>>, %arg5: memref<16384xi32, #tpu.memory_space<hbm>>, %arg6: memref<16384xi32, #tpu.memory_space<hbm>>, %arg7: memref<16384xf32, #tpu.memory_space<hbm>>, %arg8: memref<512xi32, #tpu.memory_space<vmem>>, %arg9: memref<512xi32, #tpu.memory_space<vmem>>, %arg10: memref<512xi32, #tpu.memory_space<vmem>>, %arg11: memref<2x128x128xf32, #tpu.memory_space<vmem>>, %arg12: memref<2x128x128xf32, #tpu.memory_space<vmem>>, %arg13: memref<2x128x128xf32, #tpu.memory_space<vmem>>, %arg14: memref<512xf32, #tpu.memory_space<vmem>>, %arg15: memref<3x!tpu.dma_semaphore, #tpu.memory_space<semaphore_mem>>) attributes {dimension_semantics = [#tpu.dimension_semantics<core_parallel>, #tpu.dimension_semantics<subcore_parallel>], iteration_bounds = array<i64: 2, 16>, scalar_prefetch = 0 : i64, scratch_operands = 8 : i64, tpu.core_type = #tpu.core_type<sc_vector_subcore>, window_params = [{transform_indices = #map}, {transform_indices = #map}, {transform_indices = #map1}, {transform_indices = #map1}, {transform_indices = #map1}, {transform_indices = #map1}]} {
    %mul3A = arith.constant 2 : i32
    %mul3A_0 = arith.muli %arg1, %mul3A : i32
    %add3A = arith.addi %mul3A_0, %arg0 : i32
    %mul3A_1 = arith.constant 512 : i32
    %mul3A_2 = arith.muli %add3A, %mul3A_1 : i32
    %dma_start3A = arith.constant 0 : i32
    %dma_start3A_3 = tpu.memref_slice %arg4[%mul3A_2] : memref<16384xi32, #tpu.memory_space<hbm>> -> memref<512xi32, #tpu.memory_space<hbm>>
    %dma_start3A_4 = tpu.memref_slice %arg15[%dma_start3A] : memref<3x!tpu.dma_semaphore, #tpu.memory_space<semaphore_mem>> -> memref<1x!tpu.dma_semaphore, #tpu.memory_space<semaphore_mem>>
    %dma_start3A_5 = tpu.memref_squeeze %dma_start3A_4 : memref<1x!tpu.dma_semaphore, #tpu.memory_space<semaphore_mem>> -> memref<!tpu.dma_semaphore, #tpu.memory_space<semaphore_mem>>
    %dma_start3A_6 = tpu.memref_slice %arg4[%mul3A_2] : memref<16384xi32, #tpu.memory_space<hbm>> -> memref<512xi32, #tpu.memory_space<hbm>>
    tpu.enqueue_dma source(%dma_start3A_6 : memref<512xi32, #tpu.memory_space<hbm>>) target(%arg8 : memref<512xi32, #tpu.memory_space<vmem>>) target_semaphore(%dma_start3A_5 : memref<!tpu.dma_semaphore, #tpu.memory_space<semaphore_mem>>)
    %dma_start3A_7 = arith.constant 1 : i32
    %dma_start3A_8 = tpu.memref_slice %arg5[%mul3A_2] : memref<16384xi32, #tpu.memory_space<hbm>> -> memref<512xi32, #tpu.memory_space<hbm>>
    %dma_start3A_9 = tpu.memref_slice %arg15[%dma_start3A_7] : memref<3x!tpu.dma_semaphore, #tpu.memory_space<semaphore_mem>> -> memref<1x!tpu.dma_semaphore, #tpu.memory_space<semaphore_mem>>
    %dma_start3A_10 = tpu.memref_squeeze %dma_start3A_9 : memref<1x!tpu.dma_semaphore, #tpu.memory_space<semaphore_mem>> -> memref<!tpu.dma_semaphore, #tpu.memory_space<semaphore_mem>>
    %dma_start3A_11 = tpu.memref_slice %arg5[%mul3A_2] : memref<16384xi32, #tpu.memory_space<hbm>> -> memref<512xi32, #tpu.memory_space<hbm>>
    tpu.enqueue_dma source(%dma_start3A_11 : memref<512xi32, #tpu.memory_space<hbm>>) target(%arg9 : memref<512xi32, #tpu.memory_space<vmem>>) target_semaphore(%dma_start3A_10 : memref<!tpu.dma_semaphore, #tpu.memory_space<semaphore_mem>>)
    %dma_start3A_12 = arith.constant 0 : i32
    %dma_start3A_13 = tpu.memref_slice %arg6[%mul3A_2] : memref<16384xi32, #tpu.memory_space<hbm>> -> memref<512xi32, #tpu.memory_space<hbm>>
    %dma_start3A_14 = tpu.memref_slice %arg15[%dma_start3A_12] : memref<3x!tpu.dma_semaphore, #tpu.memory_space<semaphore_mem>> -> memref<1x!tpu.dma_semaphore, #tpu.memory_space<semaphore_mem>>
    %dma_start3A_15 = tpu.memref_squeeze %dma_start3A_14 : memref<1x!tpu.dma_semaphore, #tpu.memory_space<semaphore_mem>> -> memref<!tpu.dma_semaphore, #tpu.memory_space<semaphore_mem>>
    %dma_start3A_16 = tpu.memref_slice %arg6[%mul3A_2] : memref<16384xi32, #tpu.memory_space<hbm>> -> memref<512xi32, #tpu.memory_space<hbm>>
    tpu.enqueue_dma source(%dma_start3A_16 : memref<512xi32, #tpu.memory_space<hbm>>) target(%arg10 : memref<512xi32, #tpu.memory_space<vmem>>) target_semaphore(%dma_start3A_15 : memref<!tpu.dma_semaphore, #tpu.memory_space<semaphore_mem>>)
    %dma_wait3A = arith.constant 0 : i32
    %dma_wait3A_17 = tpu.memref_slice %arg4[%mul3A_2] : memref<16384xi32, #tpu.memory_space<hbm>> -> memref<512xi32, #tpu.memory_space<hbm>>
    %dma_wait3A_18 = tpu.memref_slice %arg15[%dma_wait3A] : memref<3x!tpu.dma_semaphore, #tpu.memory_space<semaphore_mem>> -> memref<1x!tpu.dma_semaphore, #tpu.memory_space<semaphore_mem>>
    %dma_wait3A_19 = tpu.memref_squeeze %dma_wait3A_18 : memref<1x!tpu.dma_semaphore, #tpu.memory_space<semaphore_mem>> -> memref<!tpu.dma_semaphore, #tpu.memory_space<semaphore_mem>>
    %dma_wait3A_20 = tpu.memref_slice %arg4[%mul3A_2] : memref<16384xi32, #tpu.memory_space<hbm>> -> memref<512xi32, #tpu.memory_space<hbm>>
    tpu.wait_dma2 semaphore(%dma_wait3A_19 : memref<!tpu.dma_semaphore, #tpu.memory_space<semaphore_mem>>) src(%dma_wait3A_20 : memref<512xi32, #tpu.memory_space<hbm>>) dst(%arg8 : memref<512xi32, #tpu.memory_space<vmem>>)
    %dma_wait3A_21 = arith.constant 1 : i32
    %dma_wait3A_22 = tpu.memref_slice %arg5[%mul3A_2] : memref<16384xi32, #tpu.memory_space<hbm>> -> memref<512xi32, #tpu.memory_space<hbm>>
    %dma_wait3A_23 = tpu.memref_slice %arg15[%dma_wait3A_21] : memref<3x!tpu.dma_semaphore, #tpu.memory_space<semaphore_mem>> -> memref<1x!tpu.dma_semaphore, #tpu.memory_space<semaphore_mem>>
    %dma_wait3A_24 = tpu.memref_squeeze %dma_wait3A_23 : memref<1x!tpu.dma_semaphore, #tpu.memory_space<semaphore_mem>> -> memref<!tpu.dma_semaphore, #tpu.memory_space<semaphore_mem>>
    %dma_wait3A_25 = tpu.memref_slice %arg5[%mul3A_2] : memref<16384xi32, #tpu.memory_space<hbm>> -> memref<512xi32, #tpu.memory_space<hbm>>
    tpu.wait_dma2 semaphore(%dma_wait3A_24 : memref<!tpu.dma_semaphore, #tpu.memory_space<semaphore_mem>>) src(%dma_wait3A_25 : memref<512xi32, #tpu.memory_space<hbm>>) dst(%arg9 : memref<512xi32, #tpu.memory_space<vmem>>)
    %dma_wait3A_26 = arith.constant 0 : i32
    %dma_wait3A_27 = tpu.memref_slice %arg6[%mul3A_2] : memref<16384xi32, #tpu.memory_space<hbm>> -> memref<512xi32, #tpu.memory_space<hbm>>
    %dma_wait3A_28 = tpu.memref_slice %arg15[%dma_wait3A_26] : memref<3x!tpu.dma_semaphore, #tpu.memory_space<semaphore_mem>> -> memref<1x!tpu.dma_semaphore, #tpu.memory_space<semaphore_mem>>
    %dma_wait3A_29 = tpu.memref_squeeze %dma_wait3A_28 : memref<1x!tpu.dma_semaphore, #tpu.memory_space<semaphore_mem>> -> memref<!tpu.dma_semaphore, #tpu.memory_space<semaphore_mem>>
    %dma_wait3A_30 = tpu.memref_slice %arg6[%mul3A_2] : memref<16384xi32, #tpu.memory_space<hbm>> -> memref<512xi32, #tpu.memory_space<hbm>>
    tpu.wait_dma2 semaphore(%dma_wait3A_29 : memref<!tpu.dma_semaphore, #tpu.memory_space<semaphore_mem>>) src(%dma_wait3A_30 : memref<512xi32, #tpu.memory_space<hbm>>) dst(%arg10 : memref<512xi32, #tpu.memory_space<vmem>>)
    %iota3A = tpu.iota {dimensions = array<i32: 0>} : vector<16xi32>
    %dma_start3A_31 = arith.constant 0 : i32
    %dma_start3A_32 = arith.constant 0 : i32
    %dma_start3A_33 = arith.constant 0 : i32
    %dma_start3A_34 = arith.constant 0 : i32
    %dma_start3A_35 = tpu.memref_slice %arg11[%dma_start3A_31, %dma_start3A_33, %dma_start3A_34] : memref<2x128x128xf32, #tpu.memory_space<vmem>> -> memref<1x128x128xf32, #tpu.memory_space<vmem>>
    %dma_start3A_36 = tpu.memref_squeeze %dma_start3A_35 : memref<1x128x128xf32, #tpu.memory_space<vmem>> -> memref<128x128xf32, #tpu.memory_space<vmem>>
    %dma_start3A_37 = arith.constant 0 : i32
    %dma_start3A_38 = tpu.memref_slice %arg8[%dma_start3A_37] : memref<512xi32, #tpu.memory_space<vmem>> -> memref<128xi32, #tpu.memory_space<vmem>>
    %dma_start3A_39 = arith.constant 0 : i32
    %dma_start3A_40 = arith.constant 0 : i32
    %dma_start3A_41 = tpu.memref_slice %arg2[%dma_start3A_39, %dma_start3A_40] : memref<1000000x128xf32, #tpu.memory_space<hbm>> -> memref<1000000x128xf32, #tpu.memory_space<hbm>>
    %dma_start3A_42 = tpu.memref_slice %arg15[%dma_start3A_32] : memref<3x!tpu.dma_semaphore, #tpu.memory_space<semaphore_mem>> -> memref<1x!tpu.dma_semaphore, #tpu.memory_space<semaphore_mem>>
    %dma_start3A_43 = tpu.memref_squeeze %dma_start3A_42 : memref<1x!tpu.dma_semaphore, #tpu.memory_space<semaphore_mem>> -> memref<!tpu.dma_semaphore, #tpu.memory_space<semaphore_mem>>
    tpu.enqueue_indirect_dma source(%dma_start3A_41 : memref<1000000x128xf32, #tpu.memory_space<hbm>>) target(%dma_start3A_36 : memref<128x128xf32, #tpu.memory_space<vmem>>) offsets(%dma_start3A_38 : memref<128xi32, #tpu.memory_space<vmem>>) semaphore(%dma_start3A_43 : memref<!tpu.dma_semaphore, #tpu.memory_space<semaphore_mem>>)
    %dma_start3A_44 = arith.constant 0 : i32
    %dma_start3A_45 = arith.constant 0 : i32
    %dma_start3A_46 = arith.constant 0 : i32
    %dma_start3A_47 = arith.constant 0 : i32
    %dma_start3A_48 = tpu.memref_slice %arg12[%dma_start3A_44, %dma_start3A_46, %dma_start3A_47] : memref<2x128x128xf32, #tpu.memory_space<vmem>> -> memref<1x128x128xf32, #tpu.memory_space<vmem>>
    %dma_start3A_49 = tpu.memref_squeeze %dma_start3A_48 : memref<1x128x128xf32, #tpu.memory_space<vmem>> -> memref<128x128xf32, #tpu.memory_space<vmem>>
    %dma_start3A_50 = arith.constant 0 : i32
    %dma_start3A_51 = tpu.memref_slice %arg9[%dma_start3A_50] : memref<512xi32, #tpu.memory_space<vmem>> -> memref<128xi32, #tpu.memory_space<vmem>>
    %dma_start3A_52 = arith.constant 0 : i32
    %dma_start3A_53 = arith.constant 0 : i32
    %dma_start3A_54 = tpu.memref_slice %arg3[%dma_start3A_52, %dma_start3A_53] : memref<1000x128xf32, #tpu.memory_space<hbm>> -> memref<1000x128xf32, #tpu.memory_space<hbm>>
    %dma_start3A_55 = tpu.memref_slice %arg15[%dma_start3A_45] : memref<3x!tpu.dma_semaphore, #tpu.memory_space<semaphore_mem>> -> memref<1x!tpu.dma_semaphore, #tpu.memory_space<semaphore_mem>>
    %dma_start3A_56 = tpu.memref_squeeze %dma_start3A_55 : memref<1x!tpu.dma_semaphore, #tpu.memory_space<semaphore_mem>> -> memref<!tpu.dma_semaphore, #tpu.memory_space<semaphore_mem>>
    tpu.enqueue_indirect_dma source(%dma_start3A_54 : memref<1000x128xf32, #tpu.memory_space<hbm>>) target(%dma_start3A_49 : memref<128x128xf32, #tpu.memory_space<vmem>>) offsets(%dma_start3A_51 : memref<128xi32, #tpu.memory_space<vmem>>) semaphore(%dma_start3A_56 : memref<!tpu.dma_semaphore, #tpu.memory_space<semaphore_mem>>)
    %dma_start3A_57 = arith.constant 0 : i32
    %dma_start3A_58 = arith.constant 0 : i32
    %dma_start3A_59 = arith.constant 0 : i32
    %dma_start3A_60 = arith.constant 0 : i32
    %dma_start3A_61 = tpu.memref_slice %arg13[%dma_start3A_57, %dma_start3A_59, %dma_start3A_60] : memref<2x128x128xf32, #tpu.memory_space<vmem>> -> memref<1x128x128xf32, #tpu.memory_space<vmem>>
    %dma_start3A_62 = tpu.memref_squeeze %dma_start3A_61 : memref<1x128x128xf32, #tpu.memory_space<vmem>> -> memref<128x128xf32, #tpu.memory_space<vmem>>
    %dma_start3A_63 = arith.constant 0 : i32
    %dma_start3A_64 = tpu.memref_slice %arg10[%dma_start3A_63] : memref<512xi32, #tpu.memory_space<vmem>> -> memref<128xi32, #tpu.memory_space<vmem>>
    %dma_start3A_65 = arith.constant 0 : i32
    %dma_start3A_66 = arith.constant 0 : i32
    %dma_start3A_67 = tpu.memref_slice %arg2[%dma_start3A_65, %dma_start3A_66] : memref<1000000x128xf32, #tpu.memory_space<hbm>> -> memref<1000000x128xf32, #tpu.memory_space<hbm>>
    %dma_start3A_68 = tpu.memref_slice %arg15[%dma_start3A_58] : memref<3x!tpu.dma_semaphore, #tpu.memory_space<semaphore_mem>> -> memref<1x!tpu.dma_semaphore, #tpu.memory_space<semaphore_mem>>
    %dma_start3A_69 = tpu.memref_squeeze %dma_start3A_68 : memref<1x!tpu.dma_semaphore, #tpu.memory_space<semaphore_mem>> -> memref<!tpu.dma_semaphore, #tpu.memory_space<semaphore_mem>>
    tpu.enqueue_indirect_dma source(%dma_start3A_67 : memref<1000000x128xf32, #tpu.memory_space<hbm>>) target(%dma_start3A_62 : memref<128x128xf32, #tpu.memory_space<vmem>>) offsets(%dma_start3A_64 : memref<128xi32, #tpu.memory_space<vmem>>) semaphore(%dma_start3A_69 : memref<!tpu.dma_semaphore, #tpu.memory_space<semaphore_mem>>)
    %scan3A = arith.constant 0 : i32
    %scan3A_70 = arith.constant 0 : i32
    %scan3A_71 = arith.constant 4 : i32
    %scan3A_72 = arith.addi %scan3A_70, %scan3A_71 : i32
    %scan3A_73 = arith.constant 1 : i32
    scf.for %scan3A_119 = %scan3A_70 to %scan3A_72 step %scan3A_73  : i32 {
      %rem3A = arith.constant 2 : i32
      %rem3A_120 = arith.remsi %scan3A_119, %rem3A : i32
      %mul3A_121 = arith.constant 128 : i32
      %mul3A_122 = arith.muli %scan3A_119, %mul3A_121 : i32
      %dma_wait3A_123 = arith.constant 0 : i32
      %dma_wait3A_124 = arith.constant 0 : i32
      %dma_wait3A_125 = tpu.memref_slice %arg11[%rem3A_120, %dma_wait3A_123, %dma_wait3A_124] : memref<2x128x128xf32, #tpu.memory_space<vmem>> -> memref<1x128x128xf32, #tpu.memory_space<vmem>>
      %dma_wait3A_126 = tpu.memref_squeeze %dma_wait3A_125 : memref<1x128x128xf32, #tpu.memory_space<vmem>> -> memref<128x128xf32, #tpu.memory_space<vmem>>
      %dma_wait3A_127 = tpu.memref_slice %arg8[%mul3A_122] : memref<512xi32, #tpu.memory_space<vmem>> -> memref<128xi32, #tpu.memory_space<vmem>>
      %dma_wait3A_128 = arith.constant 0 : i32
      %dma_wait3A_129 = arith.constant 0 : i32
      %dma_wait3A_130 = tpu.memref_slice %arg2[%dma_wait3A_128, %dma_wait3A_129] : memref<1000000x128xf32, #tpu.memory_space<hbm>> -> memref<1000000x128xf32, #tpu.memory_space<hbm>>
      %dma_wait3A_131 = tpu.memref_slice %arg15[%rem3A_120] : memref<3x!tpu.dma_semaphore, #tpu.memory_space<semaphore_mem>> -> memref<1x!tpu.dma_semaphore, #tpu.memory_space<semaphore_mem>>
      %dma_wait3A_132 = tpu.memref_squeeze %dma_wait3A_131 : memref<1x!tpu.dma_semaphore, #tpu.memory_space<semaphore_mem>> -> memref<!tpu.dma_semaphore, #tpu.memory_space<semaphore_mem>>
      tpu.wait_indirect_dma semaphore(%dma_wait3A_132 : memref<!tpu.dma_semaphore, #tpu.memory_space<semaphore_mem>>) src(%dma_wait3A_130 : memref<1000000x128xf32, #tpu.memory_space<hbm>>) dst(%dma_wait3A_126 : memref<128x128xf32, #tpu.memory_space<vmem>>)
      %dma_wait3A_133 = arith.constant 0 : i32
      %dma_wait3A_134 = arith.constant 0 : i32
      %dma_wait3A_135 = tpu.memref_slice %arg12[%rem3A_120, %dma_wait3A_133, %dma_wait3A_134] : memref<2x128x128xf32, #tpu.memory_space<vmem>> -> memref<1x128x128xf32, #tpu.memory_space<vmem>>
      %dma_wait3A_136 = tpu.memref_squeeze %dma_wait3A_135 : memref<1x128x128xf32, #tpu.memory_space<vmem>> -> memref<128x128xf32, #tpu.memory_space<vmem>>
      %dma_wait3A_137 = tpu.memref_slice %arg9[%mul3A_122] : memref<512xi32, #tpu.memory_space<vmem>> -> memref<128xi32, #tpu.memory_space<vmem>>
      %dma_wait3A_138 = arith.constant 0 : i32
      %dma_wait3A_139 = arith.constant 0 : i32
      %dma_wait3A_140 = tpu.memref_slice %arg3[%dma_wait3A_138, %dma_wait3A_139] : memref<1000x128xf32, #tpu.memory_space<hbm>> -> memref<1000x128xf32, #tpu.memory_space<hbm>>
      %dma_wait3A_141 = tpu.memref_slice %arg15[%rem3A_120] : memref<3x!tpu.dma_semaphore, #tpu.memory_space<semaphore_mem>> -> memref<1x!tpu.dma_semaphore, #tpu.memory_space<semaphore_mem>>
      %dma_wait3A_142 = tpu.memref_squeeze %dma_wait3A_141 : memref<1x!tpu.dma_semaphore, #tpu.memory_space<semaphore_mem>> -> memref<!tpu.dma_semaphore, #tpu.memory_space<semaphore_mem>>
      tpu.wait_indirect_dma semaphore(%dma_wait3A_142 : memref<!tpu.dma_semaphore, #tpu.memory_space<semaphore_mem>>) src(%dma_wait3A_140 : memref<1000x128xf32, #tpu.memory_space<hbm>>) dst(%dma_wait3A_136 : memref<128x128xf32, #tpu.memory_space<vmem>>)
      %dma_wait3A_143 = arith.constant 0 : i32
      %dma_wait3A_144 = arith.constant 0 : i32
      %dma_wait3A_145 = tpu.memref_slice %arg13[%rem3A_120, %dma_wait3A_143, %dma_wait3A_144] : memref<2x128x128xf32, #tpu.memory_space<vmem>> -> memref<1x128x128xf32, #tpu.memory_space<vmem>>
      %dma_wait3A_146 = tpu.memref_squeeze %dma_wait3A_145 : memref<1x128x128xf32, #tpu.memory_space<vmem>> -> memref<128x128xf32, #tpu.memory_space<vmem>>
      %dma_wait3A_147 = tpu.memref_slice %arg10[%mul3A_122] : memref<512xi32, #tpu.memory_space<vmem>> -> memref<128xi32, #tpu.memory_space<vmem>>
      %dma_wait3A_148 = arith.constant 0 : i32
      %dma_wait3A_149 = arith.constant 0 : i32
      %dma_wait3A_150 = tpu.memref_slice %arg2[%dma_wait3A_148, %dma_wait3A_149] : memref<1000000x128xf32, #tpu.memory_space<hbm>> -> memref<1000000x128xf32, #tpu.memory_space<hbm>>
      %dma_wait3A_151 = tpu.memref_slice %arg15[%rem3A_120] : memref<3x!tpu.dma_semaphore, #tpu.memory_space<semaphore_mem>> -> memref<1x!tpu.dma_semaphore, #tpu.memory_space<semaphore_mem>>
      %dma_wait3A_152 = tpu.memref_squeeze %dma_wait3A_151 : memref<1x!tpu.dma_semaphore, #tpu.memory_space<semaphore_mem>> -> memref<!tpu.dma_semaphore, #tpu.memory_space<semaphore_mem>>
      tpu.wait_indirect_dma semaphore(%dma_wait3A_152 : memref<!tpu.dma_semaphore, #tpu.memory_space<semaphore_mem>>) src(%dma_wait3A_150 : memref<1000000x128xf32, #tpu.memory_space<hbm>>) dst(%dma_wait3A_146 : memref<128x128xf32, #tpu.memory_space<vmem>>)
      %add3A_153 = arith.constant 1 : i32
      %add3A_154 = arith.addi %scan3A_119, %add3A_153 : i32
      %lt3A = arith.constant 4 : i32
      %lt3A_155 = arith.cmpi slt, %add3A_154, %lt3A : i32
      %convert_element_type3A = arith.extui %lt3A_155 : i1 to i32
      %cond3A = arith.constant 0 : i32
      %cond3A_156 = arith.cmpi ne, %convert_element_type3A, %cond3A : i32
      scf.if %cond3A_156 {
        %add3A_175 = arith.constant 1 : i32
        %add3A_176 = arith.addi %scan3A_119, %add3A_175 : i32
        %sub3A = arith.constant 1 : i32
        %sub3A_177 = arith.subi %sub3A, %rem3A_120 : i32
        %mul3A_178 = arith.constant 128 : i32
        %mul3A_179 = arith.muli %add3A_176, %mul3A_178 : i32
        %dma_start3A_180 = arith.constant 0 : i32
        %dma_start3A_181 = arith.constant 0 : i32
        %dma_start3A_182 = tpu.memref_slice %arg11[%sub3A_177, %dma_start3A_180, %dma_start3A_181] : memref<2x128x128xf32, #tpu.memory_space<vmem>> -> memref<1x128x128xf32, #tpu.memory_space<vmem>>
        %dma_start3A_183 = tpu.memref_squeeze %dma_start3A_182 : memref<1x128x128xf32, #tpu.memory_space<vmem>> -> memref<128x128xf32, #tpu.memory_space<vmem>>
        %dma_start3A_184 = tpu.memref_slice %arg8[%mul3A_179] : memref<512xi32, #tpu.memory_space<vmem>> -> memref<128xi32, #tpu.memory_space<vmem>>
        %dma_start3A_185 = arith.constant 0 : i32
        %dma_start3A_186 = arith.constant 0 : i32
        %dma_start3A_187 = tpu.memref_slice %arg2[%dma_start3A_185, %dma_start3A_186] : memref<1000000x128xf32, #tpu.memory_space<hbm>> -> memref<1000000x128xf32, #tpu.memory_space<hbm>>
        %dma_start3A_188 = tpu.memref_slice %arg15[%sub3A_177] : memref<3x!tpu.dma_semaphore, #tpu.memory_space<semaphore_mem>> -> memref<1x!tpu.dma_semaphore, #tpu.memory_space<semaphore_mem>>
        %dma_start3A_189 = tpu.memref_squeeze %dma_start3A_188 : memref<1x!tpu.dma_semaphore, #tpu.memory_space<semaphore_mem>> -> memref<!tpu.dma_semaphore, #tpu.memory_space<semaphore_mem>>
        tpu.enqueue_indirect_dma source(%dma_start3A_187 : memref<1000000x128xf32, #tpu.memory_space<hbm>>) target(%dma_start3A_183 : memref<128x128xf32, #tpu.memory_space<vmem>>) offsets(%dma_start3A_184 : memref<128xi32, #tpu.memory_space<vmem>>) semaphore(%dma_start3A_189 : memref<!tpu.dma_semaphore, #tpu.memory_space<semaphore_mem>>)
        %dma_start3A_190 = arith.constant 0 : i32
        %dma_start3A_191 = arith.constant 0 : i32
        %dma_start3A_192 = tpu.memref_slice %arg12[%sub3A_177, %dma_start3A_190, %dma_start3A_191] : memref<2x128x128xf32, #tpu.memory_space<vmem>> -> memref<1x128x128xf32, #tpu.memory_space<vmem>>
        %dma_start3A_193 = tpu.memref_squeeze %dma_start3A_192 : memref<1x128x128xf32, #tpu.memory_space<vmem>> -> memref<128x128xf32, #tpu.memory_space<vmem>>
        %dma_start3A_194 = tpu.memref_slice %arg9[%mul3A_179] : memref<512xi32, #tpu.memory_space<vmem>> -> memref<128xi32, #tpu.memory_space<vmem>>
        %dma_start3A_195 = arith.constant 0 : i32
        %dma_start3A_196 = arith.constant 0 : i32
        %dma_start3A_197 = tpu.memref_slice %arg3[%dma_start3A_195, %dma_start3A_196] : memref<1000x128xf32, #tpu.memory_space<hbm>> -> memref<1000x128xf32, #tpu.memory_space<hbm>>
        %dma_start3A_198 = tpu.memref_slice %arg15[%sub3A_177] : memref<3x!tpu.dma_semaphore, #tpu.memory_space<semaphore_mem>> -> memref<1x!tpu.dma_semaphore, #tpu.memory_space<semaphore_mem>>
        %dma_start3A_199 = tpu.memref_squeeze %dma_start3A_198 : memref<1x!tpu.dma_semaphore, #tpu.memory_space<semaphore_mem>> -> memref<!tpu.dma_semaphore, #tpu.memory_space<semaphore_mem>>
        tpu.enqueue_indirect_dma source(%dma_start3A_197 : memref<1000x128xf32, #tpu.memory_space<hbm>>) target(%dma_start3A_193 : memref<128x128xf32, #tpu.memory_space<vmem>>) offsets(%dma_start3A_194 : memref<128xi32, #tpu.memory_space<vmem>>) semaphore(%dma_start3A_199 : memref<!tpu.dma_semaphore, #tpu.memory_space<semaphore_mem>>)
        %dma_start3A_200 = arith.constant 0 : i32
        %dma_start3A_201 = arith.constant 0 : i32
        %dma_start3A_202 = tpu.memref_slice %arg13[%sub3A_177, %dma_start3A_200, %dma_start3A_201] : memref<2x128x128xf32, #tpu.memory_space<vmem>> -> memref<1x128x128xf32, #tpu.memory_space<vmem>>
        %dma_start3A_203 = tpu.memref_squeeze %dma_start3A_202 : memref<1x128x128xf32, #tpu.memory_space<vmem>> -> memref<128x128xf32, #tpu.memory_space<vmem>>
        %dma_start3A_204 = tpu.memref_slice %arg10[%mul3A_179] : memref<512xi32, #tpu.memory_space<vmem>> -> memref<128xi32, #tpu.memory_space<vmem>>
        %dma_start3A_205 = arith.constant 0 : i32
        %dma_start3A_206 = arith.constant 0 : i32
        %dma_start3A_207 = tpu.memref_slice %arg2[%dma_start3A_205, %dma_start3A_206] : memref<1000000x128xf32, #tpu.memory_space<hbm>> -> memref<1000000x128xf32, #tpu.memory_space<hbm>>
        %dma_start3A_208 = tpu.memref_slice %arg15[%sub3A_177] : memref<3x!tpu.dma_semaphore, #tpu.memory_space<semaphore_mem>> -> memref<1x!tpu.dma_semaphore, #tpu.memory_space<semaphore_mem>>
        %dma_start3A_209 = tpu.memref_squeeze %dma_start3A_208 : memref<1x!tpu.dma_semaphore, #tpu.memory_space<semaphore_mem>> -> memref<!tpu.dma_semaphore, #tpu.memory_space<semaphore_mem>>
        tpu.enqueue_indirect_dma source(%dma_start3A_207 : memref<1000000x128xf32, #tpu.memory_space<hbm>>) target(%dma_start3A_203 : memref<128x128xf32, #tpu.memory_space<vmem>>) offsets(%dma_start3A_204 : memref<128xi32, #tpu.memory_space<vmem>>) semaphore(%dma_start3A_209 : memref<!tpu.dma_semaphore, #tpu.memory_space<semaphore_mem>>)
      } else {
      }
      %scan3A_157 = arith.constant 0 : i32
      %scan3A_158 = arith.constant 0 : i32
      %scan3A_159 = arith.constant 8 : i32
      %scan3A_160 = arith.addi %scan3A_158, %scan3A_159 : i32
      %scan3A_161 = arith.constant 1 : i32
      scf.for %scan3A_175 = %scan3A_158 to %scan3A_160 step %scan3A_161  : i32 {
        %broadcast_in_dim3A = arith.constant 0.000000e+00 : f32
        %broadcast_in_dim3A_176 = vector.broadcast %broadcast_in_dim3A : f32 to vector<16xf32>
        %scan3A_177 = arith.constant 0 : i32
        %scan3A_178 = arith.constant 16 : i32
        %scan3A_179 = arith.addi %scan3A_177, %scan3A_178 : i32
        %scan3A_180 = arith.constant 1 : i32
        %scan3A_181 = scf.for %scan3A_224 = %scan3A_177 to %scan3A_179 step %scan3A_180 iter_args(%scan3A_225 = %broadcast_in_dim3A_176) -> (vector<16xf32>)  : i32 {
          %mul3A_226 = arith.constant 16 : i32
          %mul3A_227 = arith.muli %scan3A_175, %mul3A_226 : i32
          %add3A_228 = arith.addi %mul3A_227, %scan3A_224 : i32
          %broadcast_in_dim3A_229 = arith.constant 0.000000e+00 : f32
          %broadcast_in_dim3A_230 = vector.broadcast %broadcast_in_dim3A_229 : f32 to vector<16xf32>
          %get3A = arith.index_cast %rem3A_120 : i32 to index
          %get3A_231 = arith.index_cast %add3A_228 : i32 to index
          %get3A_232 = arith.constant 0 : index
          %get3A_233 = tpu.vector_load %arg11[%get3A, %get3A_231, %get3A_232] {strides = array<i32>} : memref<2x128x128xf32, #tpu.memory_space<vmem>>, vector<1x1x16xf32>,
          %get3A_234 = vector.shape_cast %get3A_233 : vector<1x1x16xf32> to vector<16xf32>
          %get3A_235 = arith.index_cast %rem3A_120 : i32 to index
          %get3A_236 = arith.index_cast %add3A_228 : i32 to index
          %get3A_237 = arith.constant 0 : index
          %get3A_238 = tpu.vector_load %arg12[%get3A_235, %get3A_236, %get3A_237] {strides = array<i32>} : memref<2x128x128xf32, #tpu.memory_space<vmem>>, vector<1x1x16xf32>,
          %get3A_239 = vector.shape_cast %get3A_238 : vector<1x1x16xf32> to vector<16xf32>
          %add3A_240 = arith.addf %get3A_234, %get3A_239 : vector<16xf32>
          %get3A_241 = arith.index_cast %rem3A_120 : i32 to index
          %get3A_242 = arith.index_cast %add3A_228 : i32 to index
          %get3A_243 = arith.constant 0 : index
          %get3A_244 = tpu.vector_load %arg13[%get3A_241, %get3A_242, %get3A_243] {strides = array<i32>} : memref<2x128x128xf32, #tpu.memory_space<vmem>>, vector<1x1x16xf32>,
          %get3A_245 = vector.shape_cast %get3A_244 : vector<1x1x16xf32> to vector<16xf32>
          %sub3A_246 = arith.subf %add3A_240, %get3A_245 : vector<16xf32>
          %mul3A_247 = arith.mulf %sub3A_246, %sub3A_246 : vector<16xf32>
          %add3A_248 = arith.addf %broadcast_in_dim3A_230, %mul3A_247 : vector<16xf32>
          %get3A_249 = arith.index_cast %rem3A_120 : i32 to index
          %get3A_250 = arith.index_cast %add3A_228 : i32 to index
          %get3A_251 = arith.constant 16 : index
          %get3A_252 = tpu.vector_load %arg11[%get3A_249, %get3A_250, %get3A_251] {strides = array<i32>} : memref<2x128x128xf32, #tpu.memory_space<vmem>>, vector<1x1x16xf32>,
          %get3A_253 = vector.shape_cast %get3A_252 : vector<1x1x16xf32> to vector<16xf32>
          %get3A_254 = arith.index_cast %rem3A_120 : i32 to index
          %get3A_255 = arith.index_cast %add3A_228 : i32 to index
          %get3A_256 = arith.constant 16 : index
          %get3A_257 = tpu.vector_load %arg12[%get3A_254, %get3A_255, %get3A_256] {strides = array<i32>} : memref<2x128x128xf32, #tpu.memory_space<vmem>>, vector<1x1x16xf32>,
          %get3A_258 = vector.shape_cast %get3A_257 : vector<1x1x16xf32> to vector<16xf32>
          %add3A_259 = arith.addf %get3A_253, %get3A_258 : vector<16xf32>
          %get3A_260 = arith.index_cast %rem3A_120 : i32 to index
          %get3A_261 = arith.index_cast %add3A_228 : i32 to index
          %get3A_262 = arith.constant 16 : index
          %get3A_263 = tpu.vector_load %arg13[%get3A_260, %get3A_261, %get3A_262] {strides = array<i32>} : memref<2x128x128xf32, #tpu.memory_space<vmem>>, vector<1x1x16xf32>,
          %get3A_264 = vector.shape_cast %get3A_263 : vector<1x1x16xf32> to vector<16xf32>
          %sub3A_265 = arith.subf %add3A_259, %get3A_264 : vector<16xf32>
          %mul3A_266 = arith.mulf %sub3A_265, %sub3A_265 : vector<16xf32>
          %add3A_267 = arith.addf %add3A_248, %mul3A_266 : vector<16xf32>
          %get3A_268 = arith.index_cast %rem3A_120 : i32 to index
          %get3A_269 = arith.index_cast %add3A_228 : i32 to index
          %get3A_270 = arith.constant 32 : index
          %get3A_271 = tpu.vector_load %arg11[%get3A_268, %get3A_269, %get3A_270] {strides = array<i32>} : memref<2x128x128xf32, #tpu.memory_space<vmem>>, vector<1x1x16xf32>,
          %get3A_272 = vector.shape_cast %get3A_271 : vector<1x1x16xf32> to vector<16xf32>
          %get3A_273 = arith.index_cast %rem3A_120 : i32 to index
          %get3A_274 = arith.index_cast %add3A_228 : i32 to index
          %get3A_275 = arith.constant 32 : index
          %get3A_276 = tpu.vector_load %arg12[%get3A_273, %get3A_274, %get3A_275] {strides = array<i32>} : memref<2x128x128xf32, #tpu.memory_space<vmem>>, vector<1x1x16xf32>,
          %get3A_277 = vector.shape_cast %get3A_276 : vector<1x1x16xf32> to vector<16xf32>
          %add3A_278 = arith.addf %get3A_272, %get3A_277 : vector<16xf32>
          %get3A_279 = arith.index_cast %rem3A_120 : i32 to index
          %get3A_280 = arith.index_cast %add3A_228 : i32 to index
          %get3A_281 = arith.constant 32 : index
          %get3A_282 = tpu.vector_load %arg13[%get3A_279, %get3A_280, %get3A_281] {strides = array<i32>} : memref<2x128x128xf32, #tpu.memory_space<vmem>>, vector<1x1x16xf32>,
          %get3A_283 = vector.shape_cast %get3A_282 : vector<1x1x16xf32> to vector<16xf32>
          %sub3A_284 = arith.subf %add3A_278, %get3A_283 : vector<16xf32>
          %mul3A_285 = arith.mulf %sub3A_284, %sub3A_284 : vector<16xf32>
          %add3A_286 = arith.addf %add3A_267, %mul3A_285 : vector<16xf32>
          %get3A_287 = arith.index_cast %rem3A_120 : i32 to index
          %get3A_288 = arith.index_cast %add3A_228 : i32 to index
          %get3A_289 = arith.constant 48 : index
          %get3A_290 = tpu.vector_load %arg11[%get3A_287, %get3A_288, %get3A_289] {strides = array<i32>} : memref<2x128x128xf32, #tpu.memory_space<vmem>>, vector<1x1x16xf32>,
          %get3A_291 = vector.shape_cast %get3A_290 : vector<1x1x16xf32> to vector<16xf32>
          %get3A_292 = arith.index_cast %rem3A_120 : i32 to index
          %get3A_293 = arith.index_cast %add3A_228 : i32 to index
          %get3A_294 = arith.constant 48 : index
          %get3A_295 = tpu.vector_load %arg12[%get3A_292, %get3A_293, %get3A_294] {strides = array<i32>} : memref<2x128x128xf32, #tpu.memory_space<vmem>>, vector<1x1x16xf32>,
          %get3A_296 = vector.shape_cast %get3A_295 : vector<1x1x16xf32> to vector<16xf32>
          %add3A_297 = arith.addf %get3A_291, %get3A_296 : vector<16xf32>
          %get3A_298 = arith.index_cast %rem3A_120 : i32 to index
          %get3A_299 = arith.index_cast %add3A_228 : i32 to index
          %get3A_300 = arith.constant 48 : index
          %get3A_301 = tpu.vector_load %arg13[%get3A_298, %get3A_299, %get3A_300] {strides = array<i32>} : memref<2x128x128xf32, #tpu.memory_space<vmem>>, vector<1x1x16xf32>,
          %get3A_302 = vector.shape_cast %get3A_301 : vector<1x1x16xf32> to vector<16xf32>
          %sub3A_303 = arith.subf %add3A_297, %get3A_302 : vector<16xf32>
          %mul3A_304 = arith.mulf %sub3A_303, %sub3A_303 : vector<16xf32>
          %add3A_305 = arith.addf %add3A_286, %mul3A_304 : vector<16xf32>
          %get3A_306 = arith.index_cast %rem3A_120 : i32 to index
          %get3A_307 = arith.index_cast %add3A_228 : i32 to index
          %get3A_308 = arith.constant 64 : index
          %get3A_309 = tpu.vector_load %arg11[%get3A_306, %get3A_307, %get3A_308] {strides = array<i32>} : memref<2x128x128xf32, #tpu.memory_space<vmem>>, vector<1x1x16xf32>,
          %get3A_310 = vector.shape_cast %get3A_309 : vector<1x1x16xf32> to vector<16xf32>
          %get3A_311 = arith.index_cast %rem3A_120 : i32 to index
          %get3A_312 = arith.index_cast %add3A_228 : i32 to index
          %get3A_313 = arith.constant 64 : index
          %get3A_314 = tpu.vector_load %arg12[%get3A_311, %get3A_312, %get3A_313] {strides = array<i32>} : memref<2x128x128xf32, #tpu.memory_space<vmem>>, vector<1x1x16xf32>,
          %get3A_315 = vector.shape_cast %get3A_314 : vector<1x1x16xf32> to vector<16xf32>
          %add3A_316 = arith.addf %get3A_310, %get3A_315 : vector<16xf32>
          %get3A_317 = arith.index_cast %rem3A_120 : i32 to index
          %get3A_318 = arith.index_cast %add3A_228 : i32 to index
          %get3A_319 = arith.constant 64 : index
          %get3A_320 = tpu.vector_load %arg13[%get3A_317, %get3A_318, %get3A_319] {strides = array<i32>} : memref<2x128x128xf32, #tpu.memory_space<vmem>>, vector<1x1x16xf32>,
          %get3A_321 = vector.shape_cast %get3A_320 : vector<1x1x16xf32> to vector<16xf32>
          %sub3A_322 = arith.subf %add3A_316, %get3A_321 : vector<16xf32>
          %mul3A_323 = arith.mulf %sub3A_322, %sub3A_322 : vector<16xf32>
          %add3A_324 = arith.addf %add3A_305, %mul3A_323 : vector<16xf32>
          %get3A_325 = arith.index_cast %rem3A_120 : i32 to index
          %get3A_326 = arith.index_cast %add3A_228 : i32 to index
          %get3A_327 = arith.constant 80 : index
          %get3A_328 = tpu.vector_load %arg11[%get3A_325, %get3A_326, %get3A_327] {strides = array<i32>} : memref<2x128x128xf32, #tpu.memory_space<vmem>>, vector<1x1x16xf32>,
          %get3A_329 = vector.shape_cast %get3A_328 : vector<1x1x16xf32> to vector<16xf32>
          %get3A_330 = arith.index_cast %rem3A_120 : i32 to index
          %get3A_331 = arith.index_cast %add3A_228 : i32 to index
          %get3A_332 = arith.constant 80 : index
          %get3A_333 = tpu.vector_load %arg12[%get3A_330, %get3A_331, %get3A_332] {strides = array<i32>} : memref<2x128x128xf32, #tpu.memory_space<vmem>>, vector<1x1x16xf32>,
          %get3A_334 = vector.shape_cast %get3A_333 : vector<1x1x16xf32> to vector<16xf32>
          %add3A_335 = arith.addf %get3A_329, %get3A_334 : vector<16xf32>
          %get3A_336 = arith.index_cast %rem3A_120 : i32 to index
          %get3A_337 = arith.index_cast %add3A_228 : i32 to index
          %get3A_338 = arith.constant 80 : index
          %get3A_339 = tpu.vector_load %arg13[%get3A_336, %get3A_337, %get3A_338] {strides = array<i32>} : memref<2x128x128xf32, #tpu.memory_space<vmem>>, vector<1x1x16xf32>,
          %get3A_340 = vector.shape_cast %get3A_339 : vector<1x1x16xf32> to vector<16xf32>
          %sub3A_341 = arith.subf %add3A_335, %get3A_340 : vector<16xf32>
          %mul3A_342 = arith.mulf %sub3A_341, %sub3A_341 : vector<16xf32>
          %add3A_343 = arith.addf %add3A_324, %mul3A_342 : vector<16xf32>
          %get3A_344 = arith.index_cast %rem3A_120 : i32 to index
          %get3A_345 = arith.index_cast %add3A_228 : i32 to index
          %get3A_346 = arith.constant 96 : index
          %get3A_347 = tpu.vector_load %arg11[%get3A_344, %get3A_345, %get3A_346] {strides = array<i32>} : memref<2x128x128xf32, #tpu.memory_space<vmem>>, vector<1x1x16xf32>,
          %get3A_348 = vector.shape_cast %get3A_347 : vector<1x1x16xf32> to vector<16xf32>
          %get3A_349 = arith.index_cast %rem3A_120 : i32 to index
          %get3A_350 = arith.index_cast %add3A_228 : i32 to index
          %get3A_351 = arith.constant 96 : index
          %get3A_352 = tpu.vector_load %arg12[%get3A_349, %get3A_350, %get3A_351] {strides = array<i32>} : memref<2x128x128xf32, #tpu.memory_space<vmem>>, vector<1x1x16xf32>,
          %get3A_353 = vector.shape_cast %get3A_352 : vector<1x1x16xf32> to vector<16xf32>
          %add3A_354 = arith.addf %get3A_348, %get3A_353 : vector<16xf32>
          %get3A_355 = arith.index_cast %rem3A_120 : i32 to index
          %get3A_356 = arith.index_cast %add3A_228 : i32 to index
          %get3A_357 = arith.constant 96 : index
          %get3A_358 = tpu.vector_load %arg13[%get3A_355, %get3A_356, %get3A_357] {strides = array<i32>} : memref<2x128x128xf32, #tpu.memory_space<vmem>>, vector<1x1x16xf32>,
          %get3A_359 = vector.shape_cast %get3A_358 : vector<1x1x16xf32> to vector<16xf32>
          %sub3A_360 = arith.subf %add3A_354, %get3A_359 : vector<16xf32>
          %mul3A_361 = arith.mulf %sub3A_360, %sub3A_360 : vector<16xf32>
          %add3A_362 = arith.addf %add3A_343, %mul3A_361 : vector<16xf32>
          %get3A_363 = arith.index_cast %rem3A_120 : i32 to index
          %get3A_364 = arith.index_cast %add3A_228 : i32 to index
          %get3A_365 = arith.constant 112 : index
          %get3A_366 = tpu.vector_load %arg11[%get3A_363, %get3A_364, %get3A_365] {strides = array<i32>} : memref<2x128x128xf32, #tpu.memory_space<vmem>>, vector<1x1x16xf32>,
          %get3A_367 = vector.shape_cast %get3A_366 : vector<1x1x16xf32> to vector<16xf32>
          %get3A_368 = arith.index_cast %rem3A_120 : i32 to index
          %get3A_369 = arith.index_cast %add3A_228 : i32 to index
          %get3A_370 = arith.constant 112 : index
          %get3A_371 = tpu.vector_load %arg12[%get3A_368, %get3A_369, %get3A_370] {strides = array<i32>} : memref<2x128x128xf32, #tpu.memory_space<vmem>>, vector<1x1x16xf32>,
          %get3A_372 = vector.shape_cast %get3A_371 : vector<1x1x16xf32> to vector<16xf32>
          %add3A_373 = arith.addf %get3A_367, %get3A_372 : vector<16xf32>
          %get3A_374 = arith.index_cast %rem3A_120 : i32 to index
          %get3A_375 = arith.index_cast %add3A_228 : i32 to index
          %get3A_376 = arith.constant 112 : index
          %get3A_377 = tpu.vector_load %arg13[%get3A_374, %get3A_375, %get3A_376] {strides = array<i32>} : memref<2x128x128xf32, #tpu.memory_space<vmem>>, vector<1x1x16xf32>,
          %get3A_378 = vector.shape_cast %get3A_377 : vector<1x1x16xf32> to vector<16xf32>
          %sub3A_379 = arith.subf %add3A_373, %get3A_378 : vector<16xf32>
          %mul3A_380 = arith.mulf %sub3A_379, %sub3A_379 : vector<16xf32>
          %add3A_381 = arith.addf %add3A_362, %mul3A_380 : vector<16xf32>
          %xor3A = arith.constant 8 : i32
          %xor3A_382 = vector.broadcast %xor3A : i32 to vector<16xi32>
          %xor3A_383 = arith.xori %iota3A, %xor3A_382 : vector<16xi32>
          %lt3A_384 = arith.constant 0 : i32
          %lt3A_385 = vector.broadcast %lt3A_384 : i32 to vector<16xi32>
          %lt3A_386 = arith.cmpi slt, %xor3A_383, %lt3A_385 : vector<16xi32>
          %add3A_387 = arith.constant 16 : i32
          %add3A_388 = vector.broadcast %add3A_387 : i32 to vector<16xi32>
          %add3A_389 = arith.addi %xor3A_383, %add3A_388 : vector<16xi32>
          %select_n3A = arith.select %lt3A_386, %add3A_389, %xor3A_383 : vector<16xi1>, vector<16xi32>
          %broadcast_in_dim3A_390 = vector.shape_cast %select_n3A : vector<16xi32> to vector<16x1xi32>
          %gather3A = vector.shape_cast %broadcast_in_dim3A_390 : vector<16x1xi32> to vector<16xi32>
          %gather3A_391 = tpu.dynamic_gather %add3A_381[%gather3A] in [0] : vector<16xf32>, vector<16xi32> -> vector<16xf32>
          %add3A_392 = arith.addf %add3A_381, %gather3A_391 : vector<16xf32>
          %xor3A_393 = arith.constant 4 : i32
          %xor3A_394 = vector.broadcast %xor3A_393 : i32 to vector<16xi32>
          %xor3A_395 = arith.xori %iota3A, %xor3A_394 : vector<16xi32>
          %lt3A_396 = arith.constant 0 : i32
          %lt3A_397 = vector.broadcast %lt3A_396 : i32 to vector<16xi32>
          %lt3A_398 = arith.cmpi slt, %xor3A_395, %lt3A_397 : vector<16xi32>
          %add3A_399 = arith.constant 16 : i32
          %add3A_400 = vector.broadcast %add3A_399 : i32 to vector<16xi32>
          %add3A_401 = arith.addi %xor3A_395, %add3A_400 : vector<16xi32>
          %select_n3A_402 = arith.select %lt3A_398, %add3A_401, %xor3A_395 : vector<16xi1>, vector<16xi32>
          %broadcast_in_dim3A_403 = vector.shape_cast %select_n3A_402 : vector<16xi32> to vector<16x1xi32>
          %gather3A_404 = vector.shape_cast %broadcast_in_dim3A_403 : vector<16x1xi32> to vector<16xi32>
          %gather3A_405 = tpu.dynamic_gather %add3A_392[%gather3A_404] in [0] : vector<16xf32>, vector<16xi32> -> vector<16xf32>
          %add3A_406 = arith.addf %add3A_392, %gather3A_405 : vector<16xf32>
          %xor3A_407 = arith.constant 2 : i32
          %xor3A_408 = vector.broadcast %xor3A_407 : i32 to vector<16xi32>
          %xor3A_409 = arith.xori %iota3A, %xor3A_408 : vector<16xi32>
          %lt3A_410 = arith.constant 0 : i32
          %lt3A_411 = vector.broadcast %lt3A_410 : i32 to vector<16xi32>
          %lt3A_412 = arith.cmpi slt, %xor3A_409, %lt3A_411 : vector<16xi32>
          %add3A_413 = arith.constant 16 : i32
          %add3A_414 = vector.broadcast %add3A_413 : i32 to vector<16xi32>
          %add3A_415 = arith.addi %xor3A_409, %add3A_414 : vector<16xi32>
          %select_n3A_416 = arith.select %lt3A_412, %add3A_415, %xor3A_409 : vector<16xi1>, vector<16xi32>
          %broadcast_in_dim3A_417 = vector.shape_cast %select_n3A_416 : vector<16xi32> to vector<16x1xi32>
          %gather3A_418 = vector.shape_cast %broadcast_in_dim3A_417 : vector<16x1xi32> to vector<16xi32>
          %gather3A_419 = tpu.dynamic_gather %add3A_406[%gather3A_418] in [0] : vector<16xf32>, vector<16xi32> -> vector<16xf32>
          %add3A_420 = arith.addf %add3A_406, %gather3A_419 : vector<16xf32>
          %xor3A_421 = arith.constant 1 : i32
          %xor3A_422 = vector.broadcast %xor3A_421 : i32 to vector<16xi32>
          %xor3A_423 = arith.xori %iota3A, %xor3A_422 : vector<16xi32>
          %lt3A_424 = arith.constant 0 : i32
          %lt3A_425 = vector.broadcast %lt3A_424 : i32 to vector<16xi32>
          %lt3A_426 = arith.cmpi slt, %xor3A_423, %lt3A_425 : vector<16xi32>
          %add3A_427 = arith.constant 16 : i32
          %add3A_428 = vector.broadcast %add3A_427 : i32 to vector<16xi32>
          %add3A_429 = arith.addi %xor3A_423, %add3A_428 : vector<16xi32>
          %select_n3A_430 = arith.select %lt3A_426, %add3A_429, %xor3A_423 : vector<16xi1>, vector<16xi32>
          %broadcast_in_dim3A_431 = vector.shape_cast %select_n3A_430 : vector<16xi32> to vector<16x1xi32>
          %gather3A_432 = vector.shape_cast %broadcast_in_dim3A_431 : vector<16x1xi32> to vector<16xi32>
          %gather3A_433 = tpu.dynamic_gather %add3A_420[%gather3A_432] in [0] : vector<16xf32>, vector<16xi32> -> vector<16xf32>
          %add3A_434 = arith.addf %add3A_420, %gather3A_433 : vector<16xf32>
          %eq3A = vector.broadcast %scan3A_224 : i32 to vector<16xi32>
          %eq3A_435 = arith.cmpi eq, %iota3A, %eq3A : vector<16xi32>
          %select_n3A_436 = arith.select %eq3A_435, %add3A_434, %scan3A_225 : vector<16xi1>, vector<16xf32>
          scf.yield %select_n3A_436 : vector<16xf32>
        }
        %scan3A_182 = arith.constant 16 : i32
        %bitcast_convert_type3A = tpu.bitcast %scan3A_181 : vector<16xf32> -> vector<16xi32>
        %shift_right_arithmetic3A = arith.constant 1 : i32
        %shift_right_arithmetic3A_183 = vector.broadcast %shift_right_arithmetic3A : i32 to vector<16xi32>
        %shift_right_arithmetic3A_184 = arith.shrsi %bitcast_convert_type3A, %shift_right_arithmetic3A_183 : vector<16xi32>
        %sub3A = arith.constant 1597463007 : i32
        %sub3A_185 = vector.broadcast %sub3A : i32 to vector<16xi32>
        %sub3A_186 = arith.subi %sub3A_185, %shift_right_arithmetic3A_184 : vector<16xi32>
        %bitcast_convert_type3A_187 = tpu.bitcast %sub3A_186 : vector<16xi32> -> vector<16xf32>
        %mul3A_188 = arith.constant 5.000000e-01 : f32
        %mul3A_189 = vector.broadcast %mul3A_188 : f32 to vector<16xf32>
        %mul3A_190 = arith.mulf %mul3A_189, %scan3A_181 : vector<16xf32>
        %mul3A_191 = arith.mulf %mul3A_190, %bitcast_convert_type3A_187 : vector<16xf32>
        %mul3A_192 = arith.mulf %mul3A_191, %bitcast_convert_type3A_187 : vector<16xf32>
        %sub3A_193 = arith.constant 1.500000e+00 : f32
        %sub3A_194 = vector.broadcast %sub3A_193 : f32 to vector<16xf32>
        %sub3A_195 = arith.subf %sub3A_194, %mul3A_192 : vector<16xf32>
        %mul3A_196 = arith.mulf %bitcast_convert_type3A_187, %sub3A_195 : vector<16xf32>
        %mul3A_197 = arith.constant 5.000000e-01 : f32
        %mul3A_198 = vector.broadcast %mul3A_197 : f32 to vector<16xf32>
        %mul3A_199 = arith.mulf %mul3A_198, %scan3A_181 : vector<16xf32>
        %mul3A_200 = arith.mulf %mul3A_199, %mul3A_196 : vector<16xf32>
        %mul3A_201 = arith.mulf %mul3A_200, %mul3A_196 : vector<16xf32>
        %sub3A_202 = arith.constant 1.500000e+00 : f32
        %sub3A_203 = vector.broadcast %sub3A_202 : f32 to vector<16xf32>
        %sub3A_204 = arith.subf %sub3A_203, %mul3A_201 : vector<16xf32>
        %mul3A_205 = arith.mulf %mul3A_196, %sub3A_204 : vector<16xf32>
        %mul3A_206 = arith.constant 5.000000e-01 : f32
        %mul3A_207 = vector.broadcast %mul3A_206 : f32 to vector<16xf32>
        %mul3A_208 = arith.mulf %mul3A_207, %scan3A_181 : vector<16xf32>
        %mul3A_209 = arith.mulf %mul3A_208, %mul3A_205 : vector<16xf32>
        %mul3A_210 = arith.mulf %mul3A_209, %mul3A_205 : vector<16xf32>
        %sub3A_211 = arith.constant 1.500000e+00 : f32
        %sub3A_212 = vector.broadcast %sub3A_211 : f32 to vector<16xf32>
        %sub3A_213 = arith.subf %sub3A_212, %mul3A_210 : vector<16xf32>
        %mul3A_214 = arith.mulf %mul3A_205, %sub3A_213 : vector<16xf32>
        %mul3A_215 = arith.mulf %scan3A_181, %mul3A_214 : vector<16xf32>
        %mul3A_216 = arith.constant 128 : i32
        %mul3A_217 = arith.muli %scan3A_119, %mul3A_216 : i32
        %mul3A_218 = arith.constant 16 : i32
        %mul3A_219 = arith.muli %scan3A_175, %mul3A_218 : i32
        %add3A_220 = arith.addi %mul3A_217, %mul3A_219 : i32
        %swap3A = arith.index_cast %add3A_220 : i32 to index
        %swap3A_221 = tpu.vector_load %arg14[%swap3A] {strides = array<i32>} : memref<512xf32, #tpu.memory_space<vmem>>, vector<16xf32>,
        %swap3A_222 = vector.shape_cast %swap3A_221 : vector<16xf32> to vector<16xf32>
        %swap3A_223 = vector.shape_cast %mul3A_215 : vector<16xf32> to vector<16xf32>
        tpu.vector_store %arg14[%swap3A], %swap3A_223 {strides = array<i32>} : memref<512xf32, #tpu.memory_space<vmem>>, vector<16xf32>,
      }
      %scan3A_162 = arith.constant 8 : i32
      %mul3A_163 = arith.constant 128 : i32
      %mul3A_164 = arith.muli %scan3A_119, %mul3A_163 : i32
      %mul3A_165 = arith.constant 128 : i32
      %mul3A_166 = arith.muli %scan3A_119, %mul3A_165 : i32
      %add3A_167 = arith.addi %mul3A_2, %mul3A_166 : i32
      %dma_start3A_168 = arith.constant 2 : i32
      %dma_start3A_169 = tpu.memref_slice %arg14[%mul3A_164] : memref<512xf32, #tpu.memory_space<vmem>> -> memref<128xf32, #tpu.memory_space<vmem>>
      %dma_start3A_170 = tpu.memref_slice %arg7[%add3A_167] : memref<16384xf32, #tpu.memory_space<hbm>> -> memref<128xf32, #tpu.memory_space<hbm>>
      %dma_start3A_171 = tpu.memref_slice %arg15[%dma_start3A_168] : memref<3x!tpu.dma_semaphore, #tpu.memory_space<semaphore_mem>> -> memref<1x!tpu.dma_semaphore, #tpu.memory_space<semaphore_mem>>
      %dma_start3A_172 = tpu.memref_squeeze %dma_start3A_171 : memref<1x!tpu.dma_semaphore, #tpu.memory_space<semaphore_mem>> -> memref<!tpu.dma_semaphore, #tpu.memory_space<semaphore_mem>>
      %dma_start3A_173 = tpu.memref_slice %arg7[%add3A_167] : memref<16384xf32, #tpu.memory_space<hbm>> -> memref<128xf32, #tpu.memory_space<hbm>>
      %dma_start3A_174 = tpu.memref_slice %arg14[%mul3A_164] : memref<512xf32, #tpu.memory_space<vmem>> -> memref<128xf32, #tpu.memory_space<vmem>>
      tpu.enqueue_dma source(%dma_start3A_174 : memref<128xf32, #tpu.memory_space<vmem>>) target(%dma_start3A_173 : memref<128xf32, #tpu.memory_space<hbm>>) target_semaphore(%dma_start3A_172 : memref<!tpu.dma_semaphore, #tpu.memory_space<semaphore_mem>>)
    }
    %scan3A_74 = arith.constant 4 : i32
    %add3A_75 = arith.constant 0 : i32
    %add3A_76 = arith.addi %mul3A_2, %add3A_75 : i32
    %dma_wait3A_77 = arith.constant 2 : i32
    %dma_wait3A_78 = arith.constant 0 : i32
    %dma_wait3A_79 = tpu.memref_slice %arg14[%dma_wait3A_78] : memref<512xf32, #tpu.memory_space<vmem>> -> memref<128xf32, #tpu.memory_space<vmem>>
    %dma_wait3A_80 = tpu.memref_slice %arg7[%add3A_76] : memref<16384xf32, #tpu.memory_space<hbm>> -> memref<128xf32, #tpu.memory_space<hbm>>
    %dma_wait3A_81 = tpu.memref_slice %arg15[%dma_wait3A_77] : memref<3x!tpu.dma_semaphore, #tpu.memory_space<semaphore_mem>> -> memref<1x!tpu.dma_semaphore, #tpu.memory_space<semaphore_mem>>
    %dma_wait3A_82 = tpu.memref_squeeze %dma_wait3A_81 : memref<1x!tpu.dma_semaphore, #tpu.memory_space<semaphore_mem>> -> memref<!tpu.dma_semaphore, #tpu.memory_space<semaphore_mem>>
    %dma_wait3A_83 = tpu.memref_slice %arg7[%add3A_76] : memref<16384xf32, #tpu.memory_space<hbm>> -> memref<128xf32, #tpu.memory_space<hbm>>
    %dma_wait3A_84 = arith.constant 0 : i32
    %dma_wait3A_85 = tpu.memref_slice %arg14[%dma_wait3A_84] : memref<512xf32, #tpu.memory_space<vmem>> -> memref<128xf32, #tpu.memory_space<vmem>>
    tpu.wait_dma2 semaphore(%dma_wait3A_82 : memref<!tpu.dma_semaphore, #tpu.memory_space<semaphore_mem>>) src(%dma_wait3A_85 : memref<128xf32, #tpu.memory_space<vmem>>) dst(%dma_wait3A_83 : memref<128xf32, #tpu.memory_space<hbm>>)
    %add3A_86 = arith.constant 128 : i32
    %add3A_87 = arith.addi %mul3A_2, %add3A_86 : i32
    %dma_wait3A_88 = arith.constant 2 : i32
    %dma_wait3A_89 = arith.constant 128 : i32
    %dma_wait3A_90 = tpu.memref_slice %arg14[%dma_wait3A_89] : memref<512xf32, #tpu.memory_space<vmem>> -> memref<128xf32, #tpu.memory_space<vmem>>
    %dma_wait3A_91 = tpu.memref_slice %arg7[%add3A_87] : memref<16384xf32, #tpu.memory_space<hbm>> -> memref<128xf32, #tpu.memory_space<hbm>>
    %dma_wait3A_92 = tpu.memref_slice %arg15[%dma_wait3A_88] : memref<3x!tpu.dma_semaphore, #tpu.memory_space<semaphore_mem>> -> memref<1x!tpu.dma_semaphore, #tpu.memory_space<semaphore_mem>>
    %dma_wait3A_93 = tpu.memref_squeeze %dma_wait3A_92 : memref<1x!tpu.dma_semaphore, #tpu.memory_space<semaphore_mem>> -> memref<!tpu.dma_semaphore, #tpu.memory_space<semaphore_mem>>
    %dma_wait3A_94 = tpu.memref_slice %arg7[%add3A_87] : memref<16384xf32, #tpu.memory_space<hbm>> -> memref<128xf32, #tpu.memory_space<hbm>>
    %dma_wait3A_95 = arith.constant 128 : i32
    %dma_wait3A_96 = tpu.memref_slice %arg14[%dma_wait3A_95] : memref<512xf32, #tpu.memory_space<vmem>> -> memref<128xf32, #tpu.memory_space<vmem>>
    tpu.wait_dma2 semaphore(%dma_wait3A_93 : memref<!tpu.dma_semaphore, #tpu.memory_space<semaphore_mem>>) src(%dma_wait3A_96 : memref<128xf32, #tpu.memory_space<vmem>>) dst(%dma_wait3A_94 : memref<128xf32, #tpu.memory_space<hbm>>)
    %add3A_97 = arith.constant 256 : i32
    %add3A_98 = arith.addi %mul3A_2, %add3A_97 : i32
    %dma_wait3A_99 = arith.constant 2 : i32
    %dma_wait3A_100 = arith.constant 256 : i32
    %dma_wait3A_101 = tpu.memref_slice %arg14[%dma_wait3A_100] : memref<512xf32, #tpu.memory_space<vmem>> -> memref<128xf32, #tpu.memory_space<vmem>>
    %dma_wait3A_102 = tpu.memref_slice %arg7[%add3A_98] : memref<16384xf32, #tpu.memory_space<hbm>> -> memref<128xf32, #tpu.memory_space<hbm>>
    %dma_wait3A_103 = tpu.memref_slice %arg15[%dma_wait3A_99] : memref<3x!tpu.dma_semaphore, #tpu.memory_space<semaphore_mem>> -> memref<1x!tpu.dma_semaphore, #tpu.memory_space<semaphore_mem>>
    %dma_wait3A_104 = tpu.memref_squeeze %dma_wait3A_103 : memref<1x!tpu.dma_semaphore, #tpu.memory_space<semaphore_mem>> -> memref<!tpu.dma_semaphore, #tpu.memory_space<semaphore_mem>>
    %dma_wait3A_105 = tpu.memref_slice %arg7[%add3A_98] : memref<16384xf32, #tpu.memory_space<hbm>> -> memref<128xf32, #tpu.memory_space<hbm>>
    %dma_wait3A_106 = arith.constant 256 : i32
    %dma_wait3A_107 = tpu.memref_slice %arg14[%dma_wait3A_106] : memref<512xf32, #tpu.memory_space<vmem>> -> memref<128xf32, #tpu.memory_space<vmem>>
    tpu.wait_dma2 semaphore(%dma_wait3A_104 : memref<!tpu.dma_semaphore, #tpu.memory_space<semaphore_mem>>) src(%dma_wait3A_107 : memref<128xf32, #tpu.memory_space<vmem>>) dst(%dma_wait3A_105 : memref<128xf32, #tpu.memory_space<hbm>>)
    %add3A_108 = arith.constant 384 : i32
    %add3A_109 = arith.addi %mul3A_2, %add3A_108 : i32
    %dma_wait3A_110 = arith.constant 2 : i32
    %dma_wait3A_111 = arith.constant 384 : i32
    %dma_wait3A_112 = tpu.memref_slice %arg14[%dma_wait3A_111] : memref<512xf32, #tpu.memory_space<vmem>> -> memref<128xf32, #tpu.memory_space<vmem>>
    %dma_wait3A_113 = tpu.memref_slice %arg7[%add3A_109] : memref<16384xf32, #tpu.memory_space<hbm>> -> memref<128xf32, #tpu.memory_space<hbm>>
    %dma_wait3A_114 = tpu.memref_slice %arg15[%dma_wait3A_110] : memref<3x!tpu.dma_semaphore, #tpu.memory_space<semaphore_mem>> -> memref<1x!tpu.dma_semaphore, #tpu.memory_space<semaphore_mem>>
    %dma_wait3A_115 = tpu.memref_squeeze %dma_wait3A_114 : memref<1x!tpu.dma_semaphore, #tpu.memory_space<semaphore_mem>> -> memref<!tpu.dma_semaphore, #tpu.memory_space<semaphore_mem>>
    %dma_wait3A_116 = tpu.memref_slice %arg7[%add3A_109] : memref<16384xf32, #tpu.memory_space<hbm>> -> memref<128xf32, #tpu.memory_space<hbm>>
    %dma_wait3A_117 = arith.constant 384 : i32
    %dma_wait3A_118 = tpu.memref_slice %arg14[%dma_wait3A_117] : memref<512xf32, #tpu.memory_space<vmem>> -> memref<128xf32, #tpu.memory_space<vmem>>
    tpu.wait_dma2 semaphore(%dma_wait3A_115 : memref<!tpu.dma_semaphore, #tpu.memory_space<semaphore_mem>>) src(%dma_wait3A_118 : memref<128xf32, #tpu.memory_space<vmem>>) dst(%dma_wait3A_116 : memref<128xf32, #tpu.memory_space<hbm>>)
    return
  }
}

</mosaic_0001>

<sc_bundles>
// kernel: kernel.3.cloned.1.call-start
scs
__scs_entry_jumppad:
0x0: {  	(pc) =	sbr.rel $0x88, $3  }
0x1: {  	(tag) =	ssettag $0x0;
	lr =	simm.s32 $0x1  }
0x2: {  	[smem:$0x3F9C] =	sst lr;
	_ =	strace $0xD0000000  }
0x3: {  	_ = 	snop  }
0x4: {  	_ = 	snop  }
0x5: {  	_ = 	snop  }
0x6: {  	_ = 	snop  }
0x7: {  	_ = 	snop  }
__scs_overlays_trampoline_lowered:
0x8: {  	[smem:$0x3FAB] =	sst s0  }
0x9: {  	[smem:$0x3FAC] =	sst s1  }
0xa: {  	[smem:$0x3FAD] =	sst s2  }
0xb: {  	[smem:$0x3FAE] =	sst s3  }
0xc: {  	[smem:$0x3FAF] =	sst s4  }
0xd: {  	[smem:$0x3FB0] =	sst s5  }
0xe: {  	[smem:$0x3FB1] =	sst s6  }
0xf: {  	[smem:$0x3FB2] =	sst s7  }
0x10: {  	[smem:$0x3FB3] =	sst s8  }
0x11: {  	[smem:$0x3FB4] =	sst s9;
	s0 =	simm.s32 @!p0 $0x0  }
0x12: {  	s1 =	sld [smem:$0x3F9A];
	s0 =	simm.s32 @p0 $0x1  }
0x13: {  	[smem:$0x3FB5] =	sst s0;
	s0 =	simm.s32 @!p1 $0x0  }
0x14: {  	s2 =	sld [smem:$0x3F99];
	s0 =	simm.s32 @p1 $0x1  }
0x15: {  	[smem:$0x3FB6] =	sst s0;
	s0 =	simm.s32 @!p2 $0x0  }
0x16: {  	s3 =	sld [smem:$0x3FDB];
	s0 =	simm.s32 @p2 $0x1  }
0x17: {  	s4 =	simm.s32 $0x1BF5;
	[smem:$0x3FB8] =	sst s0  }
0x18: {  	s0 =	sld [smem:$0x3F9B];
	_ =	swait.ge [sflag:s4], $0x0  }
0x19: {  	s7 =	sld [smem:$0x3F9C]  }
0x1a: {  	s8 =	sadd.s32 $0xFFFFE003, lr  }
0x1b: {  	s9 =	sadd.s32 $0xFFFFFEF7, lr;
	s5 =	simm.s32 $0xFFFFFFFF;
	p2 =	slt.u32 s8, $0xFFFFF086  }
0x1c: {  	p1 =	slt.u32 s9, $0xF7A;
	s5 =	simm.s32 @!p2 $0x0  }
0x1d: {  	s5 =	simm.s32 @p1 $0x1;
	p0 =	seq.s32 s7, s2  }
0x1e: {  	s7 =	smul.u32 @!p0 $0xF7A, s2;
	p2 =	seq.s32 @!p0 s5, $0x0  }
0x1f: {  	s9 =	smul.u32 $0xF7A, s1;
	s8 =	simm.s32 @!p0 $0x1BF5;
	p2 =	por !p2, p0  }
0x20: {  	[sflag:s8] =	ssyncset.s32 @!p0 $0xFFFFF086;
	s6 =	sadd.s32 @!p0 s3, s7;
	s7 =	simm.s32 @!p0 $0x108  }
0x21: {  	s3 =	sadd.s32 s3, s9;
	s6 =	sadd.s32 @!p0 $0x88, s6;
	s7 =	simm.s32 @p2 $0x1082  }
0x22: {  	[simem:s7], [sflag:s8] =	dma.local @!p0 [hbm:s6], $0xF7A  }
0x23: {  	s9 =	sor.u32 $0xD0000000, s2;
	s6 =	simm.s32 $0x108;
	_ =	swait.ge @!p0 [sflag:s8], $0x0  }
0x24: {  	s3 =	sadd.s32 $0x88, s3;
	s6 =	simm.s32 @!p1 $0x1082;
	[sflag:s4] =	ssyncset.s32 $0xFFFFF086  }
0x25: {  	[simem:s6], [sflag:s4] =	dma.local [hbm:s3], $0xF7A  }
0x26: {  	[smem:$0x3F9C] =	sst s1;
	(tag) =	ssettag s2;
	_ =	strace s9  }
0x27: {  	s1 =	sld [smem:$0x3FAC]  }
0x28: {  	s2 =	sld [smem:$0x3FAD]  }
0x29: {  	s4 =	sld [smem:$0x3FAF]  }
0x2a: {  	p0 =	seq.s32 s5, $0x0;
	s5 =	sld [smem:$0x3FB0]  }
0x2b: {  	s6 =	sld [smem:$0x3FB1]  }
0x2c: {  	s7 =	sld [smem:$0x3FB2]  }
0x2d: {  	s3 =	simm.s32 $0x108;
	s8 =	sld [smem:$0x3FB3]  }
0x2e: {  	s3 =	simm.s32 @!p0 $0x1082;
	s9 =	sld [smem:$0x3FB4]  }
0x2f: {  	lr =	sadd.s32 s0, s3;
	s0 =	sld [smem:$0x3FAB]  }
0x30: {  	s3 =	sld [smem:$0x3FAE]  }
0x31: {  	[smem:$0x3FB7] =	sst s10  }
0x32: {  	s10 =	sld [smem:$0x3FB5];
	_ =	sdelay $0x3  }
0x33: {  	p0 =	seq.s32 s10, $0x1;
	s10 =	sld [smem:$0x3FB7];
	_ =	sdelay $0x3  }
0x34: {  	[smem:$0x3FB7] =	sst s10  }
0x35: {  	s10 =	sld [smem:$0x3FB6];
	_ =	sdelay $0x3  }
0x36: {  	p1 =	seq.s32 s10, $0x1;
	s10 =	sld [smem:$0x3FB7];
	_ =	sdelay $0x3  }
0x37: {  	[smem:$0x3FB7] =	sst s10  }
0x38: {  	s10 =	sld [smem:$0x3FB8]  }
0x39: {  	_ = 	snop;
	(pc) =	sbr.ind lr, $3  }
0x3a: {  	_ = 	snop  }
0x3b: {  	_ = 	snop  }
0x3c: {  	p2 =	seq.s32 s10, $0x1;
	s10 =	sld [smem:$0x3FB7]  }
0x3d: {  	_ =	shalt  }
0x3e: {  	_ =	shalt  }
0x3f: {  	_ =	shalt  }
0x40: {  	_ =	shalt  }
0x41: {  	_ =	shalt  }
0x42: {  	_ =	shalt  }
0x43: {  	_ =	shalt  }
0x44: {  	_ =	shalt  }
0x45: {  	_ =	shalt  }
0x46: {  	_ =	shalt  }
0x47: {  	_ =	shalt  }
0x48: {  	_ =	shalt  }
0x49: {  	_ =	shalt  }
0x4a: {  	_ =	shalt  }
0x4b: {  	_ =	shalt  }
0x4c: {  	_ =	shalt  }
0x4d: {  	_ =	shalt  }
0x4e: {  	_ =	shalt  }
0x4f: {  	_ =	shalt  }
0x50: {  	_ =	shalt  }
0x51: {  	_ =	shalt  }
0x52: {  	_ =	shalt  }
0x53: {  	_ =	shalt  }
0x54: {  	_ =	shalt  }
0x55: {  	_ =	shalt  }
0x56: {  	_ =	shalt  }
0x57: {  	_ =	shalt  }
0x58: {  	_ =	shalt  }
0x59: {  	_ =	shalt  }
0x5a: {  	_ =	shalt  }
0x5b: {  	_ =	shalt  }
0x5c: {  	_ =	shalt  }
0x5d: {  	_ =	shalt  }
0x5e: {  	_ =	shalt  }
0x5f: {  	_ =	shalt  }
0x60: {  	_ =	shalt  }
0x61: {  	_ =	shalt  }
0x62: {  	_ =	shalt  }
0x63: {  	_ =	shalt  }
0x64: {  	_ =	shalt  }
0x65: {  	_ =	shalt  }
0x66: {  	_ =	shalt  }
0x67: {  	_ =	shalt  }
0x68: {  	_ =	shalt  }
0x69: {  	_ =	shalt  }
0x6a: {  	_ =	shalt  }
0x6b: {  	_ =	shalt  }
0x6c: {  	_ =	shalt  }
0x6d: {  	_ =	shalt  }
0x6e: {  	_ =	shalt  }
0x6f: {  	_ =	shalt  }
0x70: {  	_ =	shalt  }
0x71: {  	_ =	shalt  }
0x72: {  	_ =	shalt  }
0x73: {  	_ =	shalt  }
0x74: {  	_ =	shalt  }
0x75: {  	_ =	shalt  }
0x76: {  	_ =	shalt  }
0x77: {  	_ =	shalt  }
0x78: {  	_ =	shalt  }
0x79: {  	_ =	shalt  }
0x7a: {  	_ =	shalt  }
0x7b: {  	_ =	shalt  }
0x7c: {  	_ =	shalt  }
0x7d: {  	_ =	shalt  }
0x7e: {  	_ =	shalt  }
0x7f: {  	_ =	shalt  }
0x80: {  	_ =	shalt  }
0x81: {  	_ =	shalt  }
0x82: {  	_ =	shalt  }
0x83: {  	_ =	shalt  }
0x84: {  	_ =	shalt  }
0x85: {  	_ =	shalt  }
0x86: {  	_ =	shalt  }
0x87: {  	_ =	shalt  }
.Lfunc_end0:
.L_simem_size_0:
called_computation_lowered:
.L_overlay_start_0:
0x88: {  	s2 =	sld [smem:$0x3FD9]  }
0x89: {  	s3 =	sld [smem:$0x3FFE];
	_ =	sdelay $0x1  }
0x8a: {  	s1 =	srdreg.scid  }
0x8b: {  	s0 =	sand.u32 $0x1, s1  }
0x8c: {  	s18 =	sshll.u32 s0, $0xA;
	s2 =	sadd.s32 s3, s2  }
0x8d: {  	s2 =	sadd.s32 s2, s18  }
0x8e: {  	[smem:$0x3FC3] =	sst s2  }
0x8f: {  	_ = 	snop  }
0x90: {  	s2 =	sld [smem:$0x3FC9]  }
0x91: {  	s19 =	sld [smem:$0x3FC8]  }
0x92: {  	s4 =	sld [smem:$0x3FC7]  }
0x93: {  	s5 =	sld [smem:$0x3FC6]  }
0x94: {  	s6 =	sld [smem:$0x3FC5]  }
0x95: {  	s7 =	sld [smem:$0x3FD0];
	(tm) =	ssettm $0x1  }
0x96: {  	s8 =	sld [smem:$0x3FFB];
	_ =	sdelay $0x3  }
0x97: {  	_ =	strace s8  }
0x98: {  	s8 =	sld [smem:$0x3FFC];
	_ =	sdelay $0x3  }
0x99: {  	_ =	strace s8  }
0x9a: {  	s8 =	sld [smem:$0x3FFD];
	_ =	sdelay $0x3  }
0x9b: {  	_ =	strace s8  }
0x9c: {  	_ =	strace $0x8FFFFFFF  }
0x9d: {  	s20 =	sld [smem:$0x3FDB];
	_ =	sdelay $0x1  }
0x9e: {  	s9 =	simm.s32 $_scs_section_size  }
0x9f: {  	s10 =	simm.s32 $_size__tile_overlayer_lowered;
	s11 =	simm.s32 $_tile_overlayer_lowered  }
0xa0: {  	s23 =	simm.s32 $0x1BFF;
	s22 =	sshll.u32 s11, $0x1;
	s8 =	sadd.s32 s9, s20  }
0xa1: {  	s12 =	simm.s32 $0x0;
	s21 =	sshll.u32 s10, $0x1;
	s10 =	sadd.s32 s22, s8  }
0xa2: {  	[timem:s12], [sflag:s23] =	dma.local [hbm:s10], s21  }
0xa3: {  	_ =	swait.ge [sflag:s23], s21  }
0xa4: {  	s9 =	ssub.s32 $0x0, s21;
	[sflag:s23] =	ssyncset.done $0x0  }
0xa5: {  	[sflag:s23] =	ssyncadd.s32 s9;
	_ =	sdelay $0x1  }
0xa6: {  	s24 =	simm.s32 $0x1B8B  }
0xa7: {  	_ =	swait.ge [sflag:s24], $0x1  }
0xa8: {  	[sflag:s24] =	ssyncset.done $0x0  }
0xa9: {  	s25 =	simm.s32 $0x1B8E;
	[sflag:s24] =	ssyncadd.s32 $0xFFFFFFFF  }
0xaa: {  	s26 =	simm.s32 $execute0_lowered;
	[smem:$0x3FD2] =	sst s25  }
0xab: {  	s9 =	sshll.u32 s26, $0x1;
	_ =	strace $0x80000046;
	[dreg:$0x1] =	wrdreg $0xFFFFFFFF  }
0xac: {  	s28 =	simm.s32 $_size_execute0_lowered;
	s8 =	sadd.s32 s8, s9;
	[dreg:$0x0] =	wrdreg $0x0  }
0xad: {  	s9 =	sshll.u32 s28, $0x1;
	[dreg:$0x2] =	wrdreg s8  }
0xae: {  	[dreg:$0x3] =	wrdreg s9  }
0xaf: {  	[dreg:$0x4] =	wrdreg $0xC0  }
0xb0: {  	_ =	task [dreg:s12], $0x5FFFF  }
0xb1: {  	[dreg:$0x1] =	wrdreg $0xFFFFFFFF  }
0xb2: {  	[dreg:$0x0] =	wrdreg $0x60  }
0xb3: {  	[dreg:$0x2] =	wrdreg s2  }
0xb4: {  	[dreg:$0x3] =	wrdreg s19  }
0xb5: {  	[dreg:$0x4] =	wrdreg s4  }
0xb6: {  	[dreg:$0x5] =	wrdreg s5  }
0xb7: {  	[dreg:$0x6] =	wrdreg s6  }
0xb8: {  	[dreg:$0x7] =	wrdreg s7  }
0xb9: {  	[dreg:$0x8] =	wrdreg $0x9  }
0xba: {  	_ =	task.clear_ibuf [dreg:s12], $0x9FFFF;
	_ =	strace $0x90000046  }
0xbb: {  	s29 =	simm.s32 $0x9;
	_ =	strace $0x80000048  }
0xbc: {  	_ =	swait.ge [sflag:s29], $0x1  }
0xbd: {  	[sflag:s29] =	ssyncadd.s32 $0xFFFFFFFF  }
0xbe: {  	_ =	strace $0x90000048  }
0xbf: {  	_ =	sfence  }
0xc0: {  	s30 =	sld [smem:$0x0];
	_ =	sdelay $0x2  }
0xc1: {  	s31 =	sshll.u32 s1, $0xD;
	s1 =	sshrl.u32 s1, $0x2  }
0xc2: {  	s3 =	sand.u32 $0x4000, s31;
	s1 =	sadd.s32 s1, s30  }
0xc3: {  	s0 =	sor.u32 s3, s0;
	s1 =	sshll.u32 s1, $0x11  }
0xc4: {  	s0 =	sor.u32 s1, s0  }
0xc5: {  	s0 =	sadd.s32 $0x8F2B, s0  }
0xc6: {  	[sflag:s0] =	ssyncadd.remote.s32 $0x1  }
0xc7: {  	_ =	sfence.sel $0xFFFF  }
0xc8: {  	[dreg:$0x0] =	wrdreg $0xFFFFFFFF;
	(pc) =	sbr.abs _section_cstart, $3  }
0xc9: {  	[dreg:$0x1] =	wrdreg $0xFFFFFFFF  }
0xca: {  	_ =	task.clear_ibuf [dreg:s12], $0x2FFFF;
	_ =	strace $0x9FFFFFFF  }
0xcb: {  	(tm) =	ssettm $0x7FFFFFFF  }
tec
execute0_lowered:
.L_overlay_start_1:
0x0: {  	(tag) =	ssettag $0x1  }
0x1: {  	s0 =	rddreg [dreg:$0x0]  }
0x2: {  	s1 =	rddreg [dreg:$0x1]  }
0x3: {  	s3 =	rddreg [dreg:$0x2]  }
0x4: {  	v0 =	vimm.s32 $0xFEDCBA98;
	s5 =	rddreg [dreg:$0x3]  }
0x5: {  	s9 =	rddreg [dreg:$0x4];
	v1 =	vimm.s32 $0x76543210;
	v2 =	vimm.s32 $0xBA98FEDC;
	v3 =	vimm.s32 $0x32107654  }
0x6: {  	s2 =	rddreg [dreg:$0x5];
	s6 =	srdreg.scid;
	s4 =	simm.s32 $0x0;
	v4 =	vimm.s32 $0xDCFE98BA;
	v5 =	vimm.s32 $0x54761032;
	v6 =	vimm.s32 $0xEFCDAB89  }
0x7: {  	s7 =	stileid.u32;
	v7 =	vimm.s32 $0x67452301;
	s12 =	simm.s32 $0x400;
	s13 =	simm.s32 $0x1;
	v0 =	vunpack.c.l.s4.s8 v0;
	v1 =	vunpack.c.l.s4.s8 v1  }
0x8: {  	s14 =	simm.s32 $0x2;
	s15 =	simm.s32 $0x80;
	s17 =	simm.s32 $0x8600;
	v2 =	vunpack.c.l.s4.s8 v2;
	v3 =	vunpack.c.l.s4.s8 v3;
	v4 =	vunpack.c.l.s4.s8 v4  }
0x9: {  	s18 =	simm.s32 $0x10600;
	s19 =	simm.s32 $0x3;
	s6 =	sand.u32 $0x1, s6;
	v5 =	vunpack.c.l.s4.s8 v5;
	v6 =	vunpack.c.l.s4.s8 v6;
	v7 =	vunpack.c.l.s4.s8 v7  }
0xa: {  	s20 =	simm.s32 $0x0;
	s7 =	sshll.u32 s7, $0xA;
	s8 =	sshll.u32 s6, $0x9;
	v0 =	vunpack.c.0.s8.s32 v0;
	v1 =	vunpack.c.0.s8.s32 v1;
	v2 =	vunpack.c.0.s8.s32 v2  }
0xb: {  	[smem:$0x7FF] =	sst s4;
	s10 =	ssub.s32 $0x2, s6;
	s6 =	sor.u32 s8, s7;
	v3 =	vunpack.c.0.s8.s32 v3;
	v4 =	vunpack.c.0.s8.s32 v4;
	v5 =	vunpack.c.0.s8.s32 v5  }
0xc: {  	_ =	strace $0x80000047;
	s31 =	sshrl.u32 s10, $0x1;
	v6 =	vunpack.c.0.s8.s32 v6;
	v7 =	vunpack.c.0.s8.s32 v7;
	s11 =	sshrl.u32 s6, $0x3;
	v0 =	vand.u32 $0xF, v0  }
0xd: {  	s10 =	ssub.s32 s10, s31;
	s7 =	sadd.s32 s3, s11;
	s8 =	sadd.s32 s5, s11;
	v0 =	vcombine.low v0, v1;
	v1 =	vcombine.low v3, v2  }
0xe: {  	s9 =	sadd.s32 s9, s11;
	s10 =	smax.u32 s10, $0x1;
	s11 =	simm.s32 $0x200;
	v2 =	vcombine.low v5, v4;
	v3 =	vcombine.low v7, v6;
	v4 =	vlaneseq.u32  }
.LBB2_1:
0xf: {  	[tilespmem:s4], [sflag:$0x1] =	stream.linear.gather [hbm4b:s7+s4], $0x200, $0x38;
	[tilespmem:$0x18800] =	vst v63  }
0x10: {  	_ = 	snop  }
0x11: {  	[tilespmem:s11], [sflag:$0x2] =	stream.linear.gather [hbm4b:s8+s4], $0x200, $0x38;
	[tilespmem:$0x18800] =	vst v63  }
0x12: {  	_ = 	snop  }
0x13: {  	[tilespmem:s12], [sflag:$0x1] =	stream.linear.gather [hbm4b:s9+s4], $0x200, $0x38;
	[tilespmem:$0x18800] =	vst v63  }
0x14: {  	_ =	swait.ge [sflag:s13], $0x200  }
0x15: {  	[sflag:s13] =	ssyncset.done $0x0  }
0x16: {  	[sflag:s13] =	ssyncadd.s32 $0xFFFFFE00  }
0x17: {  	_ =	swait.ge [sflag:s14], $0x200  }
0x18: {  	[sflag:s14] =	ssyncset.done $0x0  }
0x19: {  	[sflag:s14] =	ssyncadd.s32 $0xFFFFFE00  }
0x1a: {  	_ =	swait.ge [sflag:s13], $0x200  }
0x1b: {  	[sflag:s13] =	ssyncset.done $0x0  }
0x1c: {  	s3 =	simm.s32 $0x600;
	[sflag:s13] =	ssyncadd.s32 $0xFFFFFE00  }
0x1d: {  	[tilespmem:s3], [sflag:$0x1] =	stream.indirect.gather [hbm4b:s0+s15], $0x80, s4, s15, $0xb8;
	[tilespmem:$0x18800] =	vst v63  }
0x1e: {  	_ = 	snop  }
0x1f: {  	[tilespmem:s17], [sflag:$0x1] =	stream.indirect.gather [hbm4b:s1+s15], $0x80, s11, s15, $0xb8;
	[tilespmem:$0x18800] =	vst v63  }
0x20: {  	p0 =	por $0x0, $0x0;
	s21 =	simm.s32 $0x0  }
0x21: {  	[tilespmem:s18], [sflag:$0x1] =	stream.indirect.gather [hbm4b:s0+s15], $0x80, s12, s15, $0xb8;
	[tilespmem:$0x18800] =	vst v63  }
.LBB2_2:
0x22: {  	s5 =	sand.u32 $0x1, s21  }
0x23: {  	s16 =	sadd.s32 $0x1, s5  }
0x24: {  	_ =	swait.ge [sflag:s16], $0x4000  }
0x25: {  	[sflag:s16] =	ssyncset.done $0x0  }
0x26: {  	[sflag:s16] =	ssyncadd.s32 $0xFFFFC000  }
0x27: {  	_ =	swait.ge [sflag:s16], $0x4000  }
0x28: {  	s3 =	smov.u32 s21;
	[sflag:s16] =	ssyncset.done $0x0  }
0x29: {  	p1 =	seq.s32 s21, $0x3;
	s21 =	sadd.s32 $0x1, s21;
	[sflag:s16] =	ssyncadd.s32 $0xFFFFC000  }
0x2a: {  	s5 =	sxor.u32 @!p1 $0x1, s5;
	s23 =	sshll.u32 @!p1 s21, $0x7;
	_ =	swait.ge [sflag:s16], $0x4000  }
0x2b: {  	s24 =	simm.s32 @!p1 $0x80;
	s22 =	sshll.u32 @!p1 s5, $0xE;
	[sflag:s16] =	ssyncset.done $0x0  }
0x2c: {  	s5 =	sadd.s32 @!p1 $0x1, s5;
	[sflag:s16] =	ssyncadd.s32 $0xFFFFC000;
	s16 =	sor.u32 @!p1 $0x600, s22  }
0x2d: {  	[tilespmem:s16], [sflag:s5] =	stream.indirect.gather @!p1 [hbm4b:s0+s24], $0x80, s23, s24, $0xb8;
	[tilespmem:$0x18800] =	vst v63  }
0x2e: {  	s25 =	sadd.s32 @!p1 $0x200, s23;
	s16 =	sor.u32 @!p1 $0x8600, s22  }
0x2f: {  	[tilespmem:s16], [sflag:s5] =	stream.indirect.gather @!p1 [hbm4b:s1+s24], $0x80, s25, s24, $0xb8;
	[tilespmem:$0x18800] =	vst v63  }
0x30: {  	s22 =	sor.u32 @!p1 $0x10600, s22;
	s23 =	sadd.s32 @!p1 $0x400, s23  }
0x31: {  	[tilespmem:s22], [sflag:s5] =	stream.indirect.gather @!p1 [hbm4b:s0+s24], $0x80, s23, s24, $0xb8;
	[tilespmem:$0x18800] =	vst v63  }
0x32: {  	s16 =	simm.s32 $0x1;
	s22 =	sshll.u32 s3, $0x7  }
0x33: {  	s16 =	simm.s32 @!p0 $0x0;
	s31 =	sand.u32 $0x3FFFFF80, s22  }
0x34: {  	s28 =	simm.s32 $0x0;
	s30 =	sshll.u32 s16, $0xE;
	s23 =	sadd.s32 $0x18600, s31  }
0x35: {  	s24 =	sor.u32 $0x640, s30;
	s25 =	sor.u32 $0x8640, s30;
	s26 =	sor.u32 $0x10640, s30;
	v5 =	vmov s23  }
.LBB2_3:
0x36: {  	v6 =	vld [tilespmem:s26+$0x20]  }
0x37: {  	v10 =	vld [tilespmem:s26+$0x10]  }
0x38: {  	v7 =	vld [tilespmem:s26+$0x0]  }
0x39: {  	v8 =	vld [tilespmem:s26+$0xFFFFFFF0]  }
0x3a: {  	v9 =	vld [tilespmem:s24+$0x0]  }
0x3b: {  	v11 =	vld [tilespmem:s24+$0xFFFFFFF0]  }
0x3c: {  	v12 =	vld [tilespmem:s26+$0xFFFFFFC0]  }
0x3d: {  	v13 =	vld [tilespmem:s24+$0xFFFFFFE0]  }
0x3e: {  	v14 =	vld [tilespmem:s24+$0xFFFFFFC0]  }
0x3f: {  	v15 =	vld [tilespmem:s25+$0xFFFFFFC0]  }
0x40: {  	v16 =	vld [tilespmem:s24+$0xFFFFFFD0]  }
0x41: {  	v17 =	vld [tilespmem:s25+$0xFFFFFFD0]  }
0x42: {  	v18 =	vld [tilespmem:s25+$0xFFFFFFE0]  }
0x43: {  	v19 =	vld [tilespmem:s26+$0xFFFFFFD0]  }
0x44: {  	v20 =	vld [tilespmem:s25+$0xFFFFFFF0]  }
0x45: {  	v21 =	vld [tilespmem:s26+$0xFFFFFFE0]  }
0x46: {  	v14 =	vadd.f32 v15, v14;
	v15 =	vld [tilespmem:s25+$0x0];
	v16 =	vadd.f32 v17, v16  }
0x47: {  	v17 =	vld [tilespmem:s24+$0x10];
	v13 =	vadd.f32 v18, v13  }
0x48: {  	v18 =	vld [tilespmem:s24+$0x20];
	v12 =	vsub.f32 v14, v12;
	v16 =	vsub.f32 v16, v19  }
0x49: {  	v11 =	vadd.f32 v20, v11;
	v14 =	vld [tilespmem:s25+$0x10]  }
0x4a: {  	v19 =	vld [tilespmem:s25+$0x20];
	v13 =	vsub.f32 v13, v21;
	v12 =	vmul.f32 v12, v12;
	v16 =	vmul.f32 v16, v16  }
0x4b: {  	s29 =	sadd.s32 $0x80, s26;
	v20 =	vld [tilespmem:s24+$0x30];
	v9 =	vadd.f32 v15, v9  }
0x4c: {  	v11 =	vsub.f32 v11, v8;
	v8 =	vld [tilespmem:s29+$0x20];
	v13 =	vmul.f32 v13, v13;
	v12 =	vadd.f32 v16, v12  }
0x4d: {  	v15 =	vld [tilespmem:s25+$0x30];
	v63 =	vsub.f32 v9, v7  }
0x4e: {  	v11 =	vmul.f32 v11, v11;
	v16 =	vld [tilespmem:s26+$0x30];
	v14 =	vadd.f32 v14, v17;
	v12 =	vadd.f32 v13, v12  }
0x4f: {  	v7 =	vld [tilespmem:s29+$0x10];
	v13 =	vadd.f32 v19, v18  }
0x50: {  	s3 =	sadd.s32 $0x80, s25;
	v9 =	vld [tilespmem:s29+$0x0];
	v14 =	vsub.f32 v14, v10;
	v17 =	vmul.f32 v63, v63;
	v12 =	vadd.f32 v11, v12  }
0x51: {  	v18 =	vld [tilespmem:s3+$0xFFFFFFC0];
	v6 =	vsub.f32 v13, v6  }
0x52: {  	s5 =	sadd.s32 $0x80, s24;
	v10 =	vld [tilespmem:s29+$0xFFFFFFF0];
	v13 =	vadd.f32 v15, v20;
	v15 =	vadd.f32 v17, v12;
	v17 =	vmul.f32 v14, v14  }
0x53: {  	v11 =	vld [tilespmem:s5+$0x0]  }
0x54: {  	v12 =	vld [tilespmem:s5+$0xFFFFFFF0];
	v6 =	vmul.f32 v6, v6;
	v13 =	vsub.f32 v13, v16;
	v17 =	vadd.f32 v17, v15  }
0x55: {  	v14 =	vld [tilespmem:s29+$0xFFFFFFC0]  }
0x56: {  	v16 =	vld [tilespmem:s5+$0xFFFFFFC0];
	v13 =	vmul.f32 v13, v13;
	v19 =	vadd.f32 v6, v17  }
0x57: {  	v15 =	vld [tilespmem:s5+$0xFFFFFFE0]  }
0x58: {  	v17 =	vld [tilespmem:s5+$0xFFFFFFD0];
	v13 =	vadd.f32 v13, v19  }
0x59: {  	s30 =	simm.s32 $0x1;
	s16 =	simm.s32 $0x2;
	s31 =	simm.s32 $0x0;
	v6 =	vimm.f32 $0.0e+00;
	v19 =	vld [tilespmem:s3+$0xFFFFFFD0]  }
.LBB2_4:
0x5a: {  	p1 =	sne.s32 s16, $0xF;
	v20 =	vld [tilespmem:s3+$0xFFFFFFE0];
	v21 =	vperm.xlane v13, v0  }
0x5b: {  	v22 =	vld [tilespmem:s29+$0xFFFFFFD0]  }
0x5c: {  	v23 =	vld [tilespmem:s3+$0xFFFFFFF0];
	v13 =	vadd.f32 v13, v21  }
0x5d: {  	v16 =	vadd.f32 v18, v16;
	v18 =	vld [tilespmem:s29+$0xFFFFFFE0]  }
0x5e: {  	v17 =	vadd.f32 v19, v17;
	v19 =	vld [tilespmem:s3+$0x0];
	v21 =	vperm.xlane v13, v1  }
0x5f: {  	v14 =	vsub.f32 v16, v14;
	v15 =	vadd.f32 v20, v15;
	v16 =	vld [tilespmem:s5+$0x10]  }
0x60: {  	v17 =	vsub.f32 v17, v22;
	v20 =	vld [tilespmem:s3+$0x10];
	v13 =	vadd.f32 v13, v21  }
0x61: {  	v14 =	vmul.f32 v14, v14;
	v12 =	vadd.f32 v23, v12;
	v21 =	vld [tilespmem:s5+$0x20]  }
0x62: {  	v17 =	vmul.f32 v17, v17;
	v15 =	vsub.f32 v15, v18;
	v18 =	vld [tilespmem:s3+$0x20];
	v22 =	vperm.xlane v13, v2  }
0x63: {  	v10 =	vsub.f32 v12, v10;
	v11 =	vadd.f32 v19, v11;
	v12 =	vld [tilespmem:s5+$0x30]  }
0x64: {  	v14 =	vadd.f32 v17, v14;
	v15 =	vmul.f32 v15, v15;
	v17 =	vld [tilespmem:s3+$0x30];
	v13 =	vadd.f32 v13, v22  }
0x65: {  	v11 =	vsub.f32 v11, v9;
	v9 =	vadd.f32 v20, v16;
	v16 =	vld [tilespmem:s29+$0x30];
	s29 =	sadd.s32 $0x80, s29  }
0x66: {  	v10 =	vmul.f32 v10, v10;
	v19 =	vld [tilespmem:s29+$0x20];
	v14 =	vadd.f32 v15, v14;
	v15 =	vperm.xlane v13, v3  }
0x67: {  	v20 =	vsub.f32 v9, v7;
	v7 =	vld [tilespmem:s29+$0x10];
	v18 =	vadd.f32 v18, v21;
	v21 =	vmov s31;
	s31 =	smov.u32 s30;
	s30 =	smov.u32 s16  }
0x68: {  	v22 =	vmul.f32 v11, v11;
	v9 =	vld [tilespmem:s29+$0x0];
	v14 =	vadd.f32 v10, v14;
	v13 =	vadd.f32 v13, v15  }
0x69: {  	s5 =	sadd.s32 $0x80, s5;
	vm0 =	veq.s32 v21, v4;
	v10 =	vld [tilespmem:s29+$0xFFFFFFF0];
	v15 =	vsub.f32 v18, v8;
	v17 =	vadd.f32 v17, v12  }
0x6a: {  	v20 =	vmul.f32 v20, v20;
	v11 =	vld [tilespmem:s5+$0x0];
	v18 =	vadd.f32 v22, v14;
	v6 =	vsel vm0, v13, v6  }
0x6b: {  	v12 =	vld [tilespmem:s5+$0xFFFFFFF0];
	v8 =	vmov v19  }
0x6c: {  	v17 =	vsub.f32 v17, v16;
	v14 =	vld [tilespmem:s29+$0xFFFFFFC0];
	v13 =	vadd.f32 v20, v18;
	v18 =	vmul.f32 v15, v15  }
.Ltmp0:
0x6d: {  	v15 =	vld [tilespmem:s5+$0xFFFFFFE0];
	(pc) =	sbr.rel @p1 .LBB2_4-.Ltmp0, $4  }
0x6e: {  	s3 =	sadd.s32 $0x80, s3;
	v19 =	vmul.f32 v17, v17;
	v16 =	vld [tilespmem:s5+$0xFFFFFFC0];
	v13 =	vadd.f32 v18, v13  }
0x6f: {  	v18 =	vld [tilespmem:s3+$0xFFFFFFC0]  }
0x70: {  	v17 =	vld [tilespmem:s5+$0xFFFFFFD0];
	v13 =	vadd.f32 v19, v13  }
0x71: {  	s16 =	sadd.s32 $0x1, s16;
	v19 =	vld [tilespmem:s3+$0xFFFFFFD0]  }
0x72: {  	v20 =	vld [tilespmem:s3+$0xFFFFFFE0]  }
0x73: {  	v21 =	vld [tilespmem:s29+$0xFFFFFFD0]  }
0x74: {  	v22 =	vld [tilespmem:s3+$0xFFFFFFF0]  }
0x75: {  	v42 =	vld [tilespmem:s29+$0xFFFFFFE0];
	v16 =	vadd.f32 v18, v16  }
0x76: {  	v43 =	vld [tilespmem:s3+$0x0];
	v17 =	vadd.f32 v19, v17  }
0x77: {  	v44 =	vld [tilespmem:s5+$0x10];
	v14 =	vsub.f32 v16, v14  }
0x78: {  	v45 =	vld [tilespmem:s3+$0x10];
	v15 =	vadd.f32 v20, v15;
	v17 =	vsub.f32 v17, v21  }
0x79: {  	v46 =	vld [tilespmem:s5+$0x20];
	v12 =	vadd.f32 v22, v12  }
0x7a: {  	v47 =	vld [tilespmem:s3+$0x20];
	v14 =	vmul.f32 v14, v14;
	v15 =	vsub.f32 v15, v42;
	v17 =	vmul.f32 v17, v17  }
0x7b: {  	v48 =	vld [tilespmem:s5+$0x30];
	v11 =	vadd.f32 v43, v11  }
0x7c: {  	v49 =	vld [tilespmem:s3+$0x30];
	v10 =	vsub.f32 v12, v10;
	v15 =	vmul.f32 v15, v15;
	v14 =	vadd.f32 v17, v14  }
0x7d: {  	v50 =	vadd.f32 v45, v44  }
0x7e: {  	v9 =	vsub.f32 v11, v9;
	v10 =	vmul.f32 v10, v10;
	v14 =	vadd.f32 v15, v14  }
0x7f: {  	v51 =	vld [tilespmem:s29+$0x30];
	v52 =	vadd.f32 v47, v46  }
0x80: {  	v7 =	vsub.f32 v50, v7;
	v9 =	vmul.f32 v9, v9;
	v10 =	vadd.f32 v10, v14  }
0x81: {  	v53 =	vadd.f32 v49, v48  }
0x82: {  	v8 =	vsub.f32 v52, v8;
	v7 =	vmul.f32 v7, v7;
	v9 =	vadd.f32 v9, v10;
	_ =	sdelay $0x1  }
0x83: {  	v54 =	vsub.f32 v53, v51;
	v8 =	vmul.f32 v8, v8;
	v7 =	vadd.f32 v7, v9;
	_ =	sdelay $0x1  }
0x84: {  	v55 =	vmul.f32 v54, v54;
	v7 =	vadd.f32 v8, v7;
	_ =	sdelay $0x1  }
0x85: {  	v7 =	vadd.f32 v55, v7  }
0x86: {  	v56 =	vperm.xlane v13, v0  }
0x87: {  	v57 =	vperm.xlane v7, v0  }
0x88: {  	v8 =	vadd.f32 v13, v56  }
0x89: {  	v7 =	vadd.f32 v7, v57  }
0x8a: {  	v58 =	vperm.xlane v8, v1  }
0x8b: {  	v59 =	vperm.xlane v7, v1  }
0x8c: {  	v8 =	vadd.f32 v8, v58  }
0x8d: {  	v7 =	vadd.f32 v7, v59  }
0x8e: {  	v9 =	vperm.xlane v8, v2  }
0x8f: {  	v10 =	vperm.xlane v7, v2  }
0x90: {  	v8 =	vadd.f32 v8, v9  }
0x91: {  	v7 =	vadd.f32 v7, v10  }
0x92: {  	v9 =	vperm.xlane v8, v3  }
0x93: {  	v10 =	vperm.xlane v7, v3  }
0x94: {  	v60 =	vmov s31;
	v8 =	vadd.f32 v8, v9  }
0x95: {  	v61 =	vmov s30;
	vm0 =	veq.s32 v60, v4;
	v7 =	vadd.f32 v7, v10  }
0x96: {  	vm15 =	veq.s32 v61, v4;
	v6 =	vsel vm0, v8, v6  }
0x97: {  	v6 =	vsel vm15, v7, v6  }
0x98: {  	v7 =	vshra.s32 v6, $0x1;
	v62 =	vmul.f32 $5.000000000e-01, v6  }
0x99: {  	v7 =	vsub.s32 $0x5F3759DF, v7  }
0x9a: {  	v63 =	vmul.f32 v7, v62;
	_ =	sdelay $0x1  }
0x9b: {  	v9 =	vmul.f32 v7, v63;
	_ =	sdelay $0x1  }
0x9c: {  	v9 =	vsub.f32 $1.500000000e+00, v9;
	_ =	sdelay $0x1  }
0x9d: {  	v7 =	vmul.f32 v7, v9;
	_ =	sdelay $0x1  }
0x9e: {  	v9 =	vmul.f32 v7, v62;
	_ =	sdelay $0x1  }
0x9f: {  	v9 =	vmul.f32 v9, v7;
	_ =	sdelay $0x1  }
0xa0: {  	v9 =	vsub.f32 $1.500000000e+00, v9;
	_ =	sdelay $0x1  }
0xa1: {  	v7 =	vmul.f32 v9, v7;
	_ =	sdelay $0x1  }
0xa2: {  	v8 =	vmul.f32 v7, v62;
	_ =	sdelay $0x1  }
0xa3: {  	v8 =	vmul.f32 v8, v7;
	_ =	sdelay $0x1  }
0xa4: {  	s31 =	sshll.u32 s28, $0x4;
	s28 =	sadd.s32 $0x1, s28;
	v8 =	vsub.f32 $1.500000000e+00, v8  }
0xa5: {  	p1 =	sne.s32 s28, $0x8  }
.Ltmp1:
0xa6: {  	v7 =	vmul.f32 v8, v7;
	(pc) =	sbr.rel @p1 .LBB2_3-.Ltmp1, $4  }
0xa7: {  	_ = 	snop  }
0xa8: {  	v6 =	vmul.f32 v7, v6  }
0xa9: {  	s3 =	sand.u32 $0x3FFFFFF0, s31  }
0xaa: {  	s24 =	sadd.s32 $0x800, s24;
	s25 =	sadd.s32 $0x800, s25;
	s26 =	sadd.s32 $0x800, s26;
	[tilespmem:v5+s3+$0x0 ss:$0x1] =	vst.idx.msk $0xffff, v6  }
0xab: {  	p1 =	sne.s32 s21, $0x4  }
.Ltmp2:
0xac: {  	_ = 	snop;
	(pc) =	sbr.rel @p1 .LBB2_2-.Ltmp2, $4  }
0xad: {  	s3 =	sadd.s32 s6, s22  }
0xae: {  	s3 =	sshrl.u32 s3, $0x3  }
0xaf: {  	p0 =	por !p0, !p0;
	s3 =	sadd.s32 s2, s3  }
0xb0: {  	[hbm4b:s3+s4] =	stream.linear.scatter [tilespmem:s23], [sflag:$0x3], $0x80, $0x38;
	[tilespmem:$0x18800] =	vst v63  }
0xb1: {  	_ =	swait.ge [sflag:s19], $0x80  }
0xb2: {  	[sflag:s19] =	ssyncset.done $0x0  }
0xb3: {  	[sflag:s19] =	ssyncadd.s32 $0xFFFFFF80  }
0xb4: {  	_ =	swait.ge [sflag:s19], $0x80  }
0xb5: {  	[sflag:s19] =	ssyncset.done $0x0  }
0xb6: {  	s20 =	sadd.s32 $0x1, s20;
	[sflag:s19] =	ssyncadd.s32 $0xFFFFFF80  }
0xb7: {  	p0 =	sne.s32 s20, s10;
	_ =	swait.ge [sflag:s19], $0x80  }
.Ltmp3:
0xb8: {  	[sflag:s19] =	ssyncset.done $0x0;
	(pc) =	sbr.rel @p0 .LBB2_1-.Ltmp3, $4  }
0xb9: {  	[sflag:s19] =	ssyncadd.s32 $0xFFFFFF80  }
0xba: {  	_ =	swait.ge [sflag:s19], $0x80  }
0xbb: {  	[sflag:s19] =	ssyncset.done $0x0  }
0xbc: {  	[sflag:s19] =	ssyncadd.s32 $0xFFFFFF80  }
0xbd: {  	_ =	sfence.sel $0x180000  }
0xbe: {  	[bflag:$0x0] =	sbarrier.arrive $0xFFFF  }
0xbf: {  	_ =	strace $0x90000047  }
0xc0: {  	s0 =	stileid.u32;
	[bflag:$0x2] =	sbarrier.arrive $0xFFFF  }
0xc1: {  	p0 =	sne.s32 s0, $0x0;
	s0 =	rddreg [dreg:$0x6]  }
0xc2: {  	s0 =	sadd.s32 @!p0 $0x100000, s0  }
0xc3: {  	[sflag:s0] =	ssyncadd.tile.s32 @!p0 $0x1;
	_ =	shalt  }
.Lfunc_end2:
_tile_overlayer_lowered:
.L_overlay_start_2:
0xc4: {  	(tag) =	ssettag $0x2  }
0xc5: {  	s0 =	rddreg [dreg:$0x0];
	s2 =	stileid.u32  }
0xc6: {  	s1 =	rddreg [dreg:$0x1];
	p0 =	sne.s32 s2, $0x0  }
0xc7: {  	s3 =	rddreg [dreg:$0x2];
	[bflag:$0x3] =	sbarrier.arrive $0xFFFF;
	s2 =	simm.s32 @!p0 $0x1C04  }
0xc8: {  	[timem:s3], [sflag:s2] =	dma.local @!p0 [hbm:s0], s1  }
0xc9: {  	s0 =	simm.s32 @!p0 $0x4  }
0xca: {  	_ =	swait.ge @!p0 [sflag:s0], s1  }
0xcb: {  	s1 =	ssub.s32 @!p0 $0x0, s1;
	[sflag:s0] =	ssyncset.done @!p0 $0x0  }
0xcc: {  	[sflag:s0] =	ssyncadd.s32 @!p0 s1  }
0xcd: {  	[bflag:$0x3] =	sbarrier.arrive $0xFFFF  }
0xce: {  	_ =	shalt  }

</sc_bundles>
